<compile_context>
chip_gen: v7x
topology: tpu7x:2x2x1
jax: 0.10.2.dev20260603
libtpu: 0.0.44.dev20260713+nightly
codegen_flags: <defaults>
</compile_context>

<pallas_src>
import functools

import jax
import jax.numpy as jnp
from jax import lax
from jax.experimental import pallas as pl
from jax.experimental.pallas import tpu as pltpu
from jax.experimental.pallas import tpu_sc as plsc

N_PLAYER = 100000
BATCH = 16384
TEAM_SIZE = 20
T_PAD = 24

NC = 2
NS = 16
NW = NC * NS
B_PER_W = BATCH // NW
IDX_PER_W = B_PER_W * TEAM_SIZE
LANES = 16
GROUPS = B_PER_W // LANES


def _sc_body(team_hbm, skill_hbm, out_hbm,
             table_sh, list_v, vals_v, out_v, sem_t, sem_a):
    sid = lax.axis_index("s")
    wid = sid * NC + lax.axis_index("c")
    col = wid * B_PER_W
    copies = [
        pltpu.async_copy(
            team_hbm.at[pl.ds(t * BATCH + col, B_PER_W)],
            list_v.at[pl.ds(t * B_PER_W, B_PER_W)], sem_t)
        for t in range(TEAM_SIZE)
    ]

    @pl.when(sid == 0)
    def _stage():
        pltpu.sync_copy(skill_hbm, table_sh)

    for cp in copies:
        cp.wait()
    plsc.subcore_barrier()
    pltpu.async_copy(table_sh.at[list_v], vals_v, sem_a).wait()

    def group(g, carry):
        off = g * LANES
        acc = vals_v[pl.ds(off, LANES)]
        for t in range(1, TEAM_SIZE):
            acc = acc + vals_v[pl.ds(t * B_PER_W + off, LANES)]
        out_v[pl.ds(off, LANES)] = acc
        return carry

    lax.fori_loop(0, GROUPS, group, 0)
    pltpu.sync_copy(out_v, out_hbm.at[pl.ds(wid * B_PER_W, B_PER_W)])


@functools.partial(
    pl.kernel,
    out_type=jax.ShapeDtypeStruct((BATCH,), jnp.float32),
    mesh=plsc.VectorSubcoreMesh(core_axis_name="c", subcore_axis_name="s"),
    compiler_params=pltpu.CompilerParams(needs_layout_passes=False),
    scratch_types=[
        pltpu.VMEM_SHARED((N_PLAYER,), jnp.float32),
        pltpu.VMEM((IDX_PER_W,), jnp.int32),
        pltpu.VMEM((IDX_PER_W,), jnp.float32),
        pltpu.VMEM((B_PER_W,), jnp.float32),
        pltpu.SemaphoreType.DMA,
        pltpu.SemaphoreType.DMA,
    ],
)
def _sc_kernel(team_hbm, skill_hbm, out_hbm, *scratch):
    _sc_body(team_hbm, skill_hbm, out_hbm, *scratch)


def kernel(team, skill):
    team_flat = jnp.pad(
        team.astype(jnp.int32).T, ((0, T_PAD - TEAM_SIZE), (0, 0))).reshape(-1)
    out = _sc_kernel(team_flat, skill.reshape(-1))
    return out.reshape(BATCH, 1, 1)

# --- scband reference (transcript-rebuilt; emitter-appended) ---
"""Pipeline reference for scband-bt-8735963480385 (READ-ONLY COPY).

The authoritative reference and input builder live on the scoring server;
editing this copy changes nothing except your own understanding.
"""

import jax, jax.numpy as jnp
import numpy as np

N_PLAYER = 100000
BATCH = 16384
TEAM_SIZE = 20

def setup_inputs(seed: int = 0) -> dict:
    key = jax.random.key(seed)
    k_team, k_skill = jax.random.split(key)
    team = jax.random.randint(k_team, (BATCH, TEAM_SIZE), 0, N_PLAYER, dtype=jnp.int64 if jax.config.jax_enable_x64 else jnp.int32)
    skill = jax.random.normal(k_skill, (N_PLAYER, 1), dtype=jnp.float32)
    return {"team": team, "skill": skill}

def reference(team, skill):
    # nn.Embedding lookup: skill[team] -> [B, TEAM_SIZE, 1]
    hero_skill = jnp.take(skill, team, axis=0)
    # sum over team members, keepdim -> [B, 1, 1]
    return jnp.sum(hero_skill, axis=1, keepdims=True)

if __name__ == "__main__":
    import jax
    _d = setup_inputs()
    print(jax.jit(kernel)(*tuple(_d.values())))

</pallas_src>

<mosaic_0001>
#map = affine_map<(d0, d1) -> (0)>
module attributes {stable_mosaic.version = 14 : i64} {
  func.func @_sc_kernel(%arg0: i32, %arg1: i32, %arg2: memref<393216xi32, #tpu.memory_space<hbm>>, %arg3: memref<100000xf32, #tpu.memory_space<hbm>>, %arg4: memref<16384xf32, #tpu.memory_space<hbm>>, %arg5: memref<100000xf32, #tpu.memory_space<vmem_shared>>, %arg6: memref<10240xi32, #tpu.memory_space<vmem>>, %arg7: memref<10240xf32, #tpu.memory_space<vmem>>, %arg8: memref<512xf32, #tpu.memory_space<vmem>>, %arg9: memref<!tpu.dma_semaphore, #tpu.memory_space<semaphore_mem>>, %arg10: memref<!tpu.dma_semaphore, #tpu.memory_space<semaphore_mem>>) attributes {dimension_semantics = [#tpu.dimension_semantics<core_parallel>, #tpu.dimension_semantics<subcore_parallel>], iteration_bounds = array<i64: 2, 16>, scalar_prefetch = 0 : i64, scratch_operands = 6 : i64, tpu.core_type = #tpu.core_type<sc_vector_subcore>, window_params = [{transform_indices = #map}, {transform_indices = #map}, {transform_indices = #map}]} {
    %mul3A = arith.constant 2 : i32
    %mul3A_0 = arith.muli %arg1, %mul3A : i32
    %add3A = arith.addi %mul3A_0, %arg0 : i32
    %mul3A_1 = arith.constant 512 : i32
    %mul3A_2 = arith.muli %add3A, %mul3A_1 : i32
    %add3A_3 = arith.constant 0 : i32
    %add3A_4 = arith.addi %add3A_3, %mul3A_2 : i32
    %dma_start3A = arith.constant 0 : i32
    %dma_start3A_5 = tpu.memref_slice %arg6[%dma_start3A] : memref<10240xi32, #tpu.memory_space<vmem>> -> memref<512xi32, #tpu.memory_space<vmem>>
    %dma_start3A_6 = tpu.memref_slice %arg2[%add3A_4] : memref<393216xi32, #tpu.memory_space<hbm>> -> memref<512xi32, #tpu.memory_space<hbm>>
    %dma_start3A_7 = arith.constant 0 : i32
    %dma_start3A_8 = tpu.memref_slice %arg6[%dma_start3A_7] : memref<10240xi32, #tpu.memory_space<vmem>> -> memref<512xi32, #tpu.memory_space<vmem>>
    %dma_start3A_9 = tpu.memref_slice %arg2[%add3A_4] : memref<393216xi32, #tpu.memory_space<hbm>> -> memref<512xi32, #tpu.memory_space<hbm>>
    tpu.enqueue_dma source(%dma_start3A_9 : memref<512xi32, #tpu.memory_space<hbm>>) target(%dma_start3A_8 : memref<512xi32, #tpu.memory_space<vmem>>) target_semaphore(%arg9 : memref<!tpu.dma_semaphore, #tpu.memory_space<semaphore_mem>>)
    %add3A_10 = arith.constant 16384 : i32
    %add3A_11 = arith.addi %add3A_10, %mul3A_2 : i32
    %dma_start3A_12 = arith.constant 512 : i32
    %dma_start3A_13 = tpu.memref_slice %arg6[%dma_start3A_12] : memref<10240xi32, #tpu.memory_space<vmem>> -> memref<512xi32, #tpu.memory_space<vmem>>
    %dma_start3A_14 = tpu.memref_slice %arg2[%add3A_11] : memref<393216xi32, #tpu.memory_space<hbm>> -> memref<512xi32, #tpu.memory_space<hbm>>
    %dma_start3A_15 = arith.constant 512 : i32
    %dma_start3A_16 = tpu.memref_slice %arg6[%dma_start3A_15] : memref<10240xi32, #tpu.memory_space<vmem>> -> memref<512xi32, #tpu.memory_space<vmem>>
    %dma_start3A_17 = tpu.memref_slice %arg2[%add3A_11] : memref<393216xi32, #tpu.memory_space<hbm>> -> memref<512xi32, #tpu.memory_space<hbm>>
    tpu.enqueue_dma source(%dma_start3A_17 : memref<512xi32, #tpu.memory_space<hbm>>) target(%dma_start3A_16 : memref<512xi32, #tpu.memory_space<vmem>>) target_semaphore(%arg9 : memref<!tpu.dma_semaphore, #tpu.memory_space<semaphore_mem>>)
    %add3A_18 = arith.constant 32768 : i32
    %add3A_19 = arith.addi %add3A_18, %mul3A_2 : i32
    %dma_start3A_20 = arith.constant 1024 : i32
    %dma_start3A_21 = tpu.memref_slice %arg6[%dma_start3A_20] : memref<10240xi32, #tpu.memory_space<vmem>> -> memref<512xi32, #tpu.memory_space<vmem>>
    %dma_start3A_22 = tpu.memref_slice %arg2[%add3A_19] : memref<393216xi32, #tpu.memory_space<hbm>> -> memref<512xi32, #tpu.memory_space<hbm>>
    %dma_start3A_23 = arith.constant 1024 : i32
    %dma_start3A_24 = tpu.memref_slice %arg6[%dma_start3A_23] : memref<10240xi32, #tpu.memory_space<vmem>> -> memref<512xi32, #tpu.memory_space<vmem>>
    %dma_start3A_25 = tpu.memref_slice %arg2[%add3A_19] : memref<393216xi32, #tpu.memory_space<hbm>> -> memref<512xi32, #tpu.memory_space<hbm>>
    tpu.enqueue_dma source(%dma_start3A_25 : memref<512xi32, #tpu.memory_space<hbm>>) target(%dma_start3A_24 : memref<512xi32, #tpu.memory_space<vmem>>) target_semaphore(%arg9 : memref<!tpu.dma_semaphore, #tpu.memory_space<semaphore_mem>>)
    %add3A_26 = arith.constant 49152 : i32
    %add3A_27 = arith.addi %add3A_26, %mul3A_2 : i32
    %dma_start3A_28 = arith.constant 1536 : i32
    %dma_start3A_29 = tpu.memref_slice %arg6[%dma_start3A_28] : memref<10240xi32, #tpu.memory_space<vmem>> -> memref<512xi32, #tpu.memory_space<vmem>>
    %dma_start3A_30 = tpu.memref_slice %arg2[%add3A_27] : memref<393216xi32, #tpu.memory_space<hbm>> -> memref<512xi32, #tpu.memory_space<hbm>>
    %dma_start3A_31 = arith.constant 1536 : i32
    %dma_start3A_32 = tpu.memref_slice %arg6[%dma_start3A_31] : memref<10240xi32, #tpu.memory_space<vmem>> -> memref<512xi32, #tpu.memory_space<vmem>>
    %dma_start3A_33 = tpu.memref_slice %arg2[%add3A_27] : memref<393216xi32, #tpu.memory_space<hbm>> -> memref<512xi32, #tpu.memory_space<hbm>>
    tpu.enqueue_dma source(%dma_start3A_33 : memref<512xi32, #tpu.memory_space<hbm>>) target(%dma_start3A_32 : memref<512xi32, #tpu.memory_space<vmem>>) target_semaphore(%arg9 : memref<!tpu.dma_semaphore, #tpu.memory_space<semaphore_mem>>)
    %add3A_34 = arith.constant 65536 : i32
    %add3A_35 = arith.addi %add3A_34, %mul3A_2 : i32
    %dma_start3A_36 = arith.constant 2048 : i32
    %dma_start3A_37 = tpu.memref_slice %arg6[%dma_start3A_36] : memref<10240xi32, #tpu.memory_space<vmem>> -> memref<512xi32, #tpu.memory_space<vmem>>
    %dma_start3A_38 = tpu.memref_slice %arg2[%add3A_35] : memref<393216xi32, #tpu.memory_space<hbm>> -> memref<512xi32, #tpu.memory_space<hbm>>
    %dma_start3A_39 = arith.constant 2048 : i32
    %dma_start3A_40 = tpu.memref_slice %arg6[%dma_start3A_39] : memref<10240xi32, #tpu.memory_space<vmem>> -> memref<512xi32, #tpu.memory_space<vmem>>
    %dma_start3A_41 = tpu.memref_slice %arg2[%add3A_35] : memref<393216xi32, #tpu.memory_space<hbm>> -> memref<512xi32, #tpu.memory_space<hbm>>
    tpu.enqueue_dma source(%dma_start3A_41 : memref<512xi32, #tpu.memory_space<hbm>>) target(%dma_start3A_40 : memref<512xi32, #tpu.memory_space<vmem>>) target_semaphore(%arg9 : memref<!tpu.dma_semaphore, #tpu.memory_space<semaphore_mem>>)
    %add3A_42 = arith.constant 81920 : i32
    %add3A_43 = arith.addi %add3A_42, %mul3A_2 : i32
    %dma_start3A_44 = arith.constant 2560 : i32
    %dma_start3A_45 = tpu.memref_slice %arg6[%dma_start3A_44] : memref<10240xi32, #tpu.memory_space<vmem>> -> memref<512xi32, #tpu.memory_space<vmem>>
    %dma_start3A_46 = tpu.memref_slice %arg2[%add3A_43] : memref<393216xi32, #tpu.memory_space<hbm>> -> memref<512xi32, #tpu.memory_space<hbm>>
    %dma_start3A_47 = arith.constant 2560 : i32
    %dma_start3A_48 = tpu.memref_slice %arg6[%dma_start3A_47] : memref<10240xi32, #tpu.memory_space<vmem>> -> memref<512xi32, #tpu.memory_space<vmem>>
    %dma_start3A_49 = tpu.memref_slice %arg2[%add3A_43] : memref<393216xi32, #tpu.memory_space<hbm>> -> memref<512xi32, #tpu.memory_space<hbm>>
    tpu.enqueue_dma source(%dma_start3A_49 : memref<512xi32, #tpu.memory_space<hbm>>) target(%dma_start3A_48 : memref<512xi32, #tpu.memory_space<vmem>>) target_semaphore(%arg9 : memref<!tpu.dma_semaphore, #tpu.memory_space<semaphore_mem>>)
    %add3A_50 = arith.constant 98304 : i32
    %add3A_51 = arith.addi %add3A_50, %mul3A_2 : i32
    %dma_start3A_52 = arith.constant 3072 : i32
    %dma_start3A_53 = tpu.memref_slice %arg6[%dma_start3A_52] : memref<10240xi32, #tpu.memory_space<vmem>> -> memref<512xi32, #tpu.memory_space<vmem>>
    %dma_start3A_54 = tpu.memref_slice %arg2[%add3A_51] : memref<393216xi32, #tpu.memory_space<hbm>> -> memref<512xi32, #tpu.memory_space<hbm>>
    %dma_start3A_55 = arith.constant 3072 : i32
    %dma_start3A_56 = tpu.memref_slice %arg6[%dma_start3A_55] : memref<10240xi32, #tpu.memory_space<vmem>> -> memref<512xi32, #tpu.memory_space<vmem>>
    %dma_start3A_57 = tpu.memref_slice %arg2[%add3A_51] : memref<393216xi32, #tpu.memory_space<hbm>> -> memref<512xi32, #tpu.memory_space<hbm>>
    tpu.enqueue_dma source(%dma_start3A_57 : memref<512xi32, #tpu.memory_space<hbm>>) target(%dma_start3A_56 : memref<512xi32, #tpu.memory_space<vmem>>) target_semaphore(%arg9 : memref<!tpu.dma_semaphore, #tpu.memory_space<semaphore_mem>>)
    %add3A_58 = arith.constant 114688 : i32
    %add3A_59 = arith.addi %add3A_58, %mul3A_2 : i32
    %dma_start3A_60 = arith.constant 3584 : i32
    %dma_start3A_61 = tpu.memref_slice %arg6[%dma_start3A_60] : memref<10240xi32, #tpu.memory_space<vmem>> -> memref<512xi32, #tpu.memory_space<vmem>>
    %dma_start3A_62 = tpu.memref_slice %arg2[%add3A_59] : memref<393216xi32, #tpu.memory_space<hbm>> -> memref<512xi32, #tpu.memory_space<hbm>>
    %dma_start3A_63 = arith.constant 3584 : i32
    %dma_start3A_64 = tpu.memref_slice %arg6[%dma_start3A_63] : memref<10240xi32, #tpu.memory_space<vmem>> -> memref<512xi32, #tpu.memory_space<vmem>>
    %dma_start3A_65 = tpu.memref_slice %arg2[%add3A_59] : memref<393216xi32, #tpu.memory_space<hbm>> -> memref<512xi32, #tpu.memory_space<hbm>>
    tpu.enqueue_dma source(%dma_start3A_65 : memref<512xi32, #tpu.memory_space<hbm>>) target(%dma_start3A_64 : memref<512xi32, #tpu.memory_space<vmem>>) target_semaphore(%arg9 : memref<!tpu.dma_semaphore, #tpu.memory_space<semaphore_mem>>)
    %add3A_66 = arith.constant 131072 : i32
    %add3A_67 = arith.addi %add3A_66, %mul3A_2 : i32
    %dma_start3A_68 = arith.constant 4096 : i32
    %dma_start3A_69 = tpu.memref_slice %arg6[%dma_start3A_68] : memref<10240xi32, #tpu.memory_space<vmem>> -> memref<512xi32, #tpu.memory_space<vmem>>
    %dma_start3A_70 = tpu.memref_slice %arg2[%add3A_67] : memref<393216xi32, #tpu.memory_space<hbm>> -> memref<512xi32, #tpu.memory_space<hbm>>
    %dma_start3A_71 = arith.constant 4096 : i32
    %dma_start3A_72 = tpu.memref_slice %arg6[%dma_start3A_71] : memref<10240xi32, #tpu.memory_space<vmem>> -> memref<512xi32, #tpu.memory_space<vmem>>
    %dma_start3A_73 = tpu.memref_slice %arg2[%add3A_67] : memref<393216xi32, #tpu.memory_space<hbm>> -> memref<512xi32, #tpu.memory_space<hbm>>
    tpu.enqueue_dma source(%dma_start3A_73 : memref<512xi32, #tpu.memory_space<hbm>>) target(%dma_start3A_72 : memref<512xi32, #tpu.memory_space<vmem>>) target_semaphore(%arg9 : memref<!tpu.dma_semaphore, #tpu.memory_space<semaphore_mem>>)
    %add3A_74 = arith.constant 147456 : i32
    %add3A_75 = arith.addi %add3A_74, %mul3A_2 : i32
    %dma_start3A_76 = arith.constant 4608 : i32
    %dma_start3A_77 = tpu.memref_slice %arg6[%dma_start3A_76] : memref<10240xi32, #tpu.memory_space<vmem>> -> memref<512xi32, #tpu.memory_space<vmem>>
    %dma_start3A_78 = tpu.memref_slice %arg2[%add3A_75] : memref<393216xi32, #tpu.memory_space<hbm>> -> memref<512xi32, #tpu.memory_space<hbm>>
    %dma_start3A_79 = arith.constant 4608 : i32
    %dma_start3A_80 = tpu.memref_slice %arg6[%dma_start3A_79] : memref<10240xi32, #tpu.memory_space<vmem>> -> memref<512xi32, #tpu.memory_space<vmem>>
    %dma_start3A_81 = tpu.memref_slice %arg2[%add3A_75] : memref<393216xi32, #tpu.memory_space<hbm>> -> memref<512xi32, #tpu.memory_space<hbm>>
    tpu.enqueue_dma source(%dma_start3A_81 : memref<512xi32, #tpu.memory_space<hbm>>) target(%dma_start3A_80 : memref<512xi32, #tpu.memory_space<vmem>>) target_semaphore(%arg9 : memref<!tpu.dma_semaphore, #tpu.memory_space<semaphore_mem>>)
    %add3A_82 = arith.constant 163840 : i32
    %add3A_83 = arith.addi %add3A_82, %mul3A_2 : i32
    %dma_start3A_84 = arith.constant 5120 : i32
    %dma_start3A_85 = tpu.memref_slice %arg6[%dma_start3A_84] : memref<10240xi32, #tpu.memory_space<vmem>> -> memref<512xi32, #tpu.memory_space<vmem>>
    %dma_start3A_86 = tpu.memref_slice %arg2[%add3A_83] : memref<393216xi32, #tpu.memory_space<hbm>> -> memref<512xi32, #tpu.memory_space<hbm>>
    %dma_start3A_87 = arith.constant 5120 : i32
    %dma_start3A_88 = tpu.memref_slice %arg6[%dma_start3A_87] : memref<10240xi32, #tpu.memory_space<vmem>> -> memref<512xi32, #tpu.memory_space<vmem>>
    %dma_start3A_89 = tpu.memref_slice %arg2[%add3A_83] : memref<393216xi32, #tpu.memory_space<hbm>> -> memref<512xi32, #tpu.memory_space<hbm>>
    tpu.enqueue_dma source(%dma_start3A_89 : memref<512xi32, #tpu.memory_space<hbm>>) target(%dma_start3A_88 : memref<512xi32, #tpu.memory_space<vmem>>) target_semaphore(%arg9 : memref<!tpu.dma_semaphore, #tpu.memory_space<semaphore_mem>>)
    %add3A_90 = arith.constant 180224 : i32
    %add3A_91 = arith.addi %add3A_90, %mul3A_2 : i32
    %dma_start3A_92 = arith.constant 5632 : i32
    %dma_start3A_93 = tpu.memref_slice %arg6[%dma_start3A_92] : memref<10240xi32, #tpu.memory_space<vmem>> -> memref<512xi32, #tpu.memory_space<vmem>>
    %dma_start3A_94 = tpu.memref_slice %arg2[%add3A_91] : memref<393216xi32, #tpu.memory_space<hbm>> -> memref<512xi32, #tpu.memory_space<hbm>>
    %dma_start3A_95 = arith.constant 5632 : i32
    %dma_start3A_96 = tpu.memref_slice %arg6[%dma_start3A_95] : memref<10240xi32, #tpu.memory_space<vmem>> -> memref<512xi32, #tpu.memory_space<vmem>>
    %dma_start3A_97 = tpu.memref_slice %arg2[%add3A_91] : memref<393216xi32, #tpu.memory_space<hbm>> -> memref<512xi32, #tpu.memory_space<hbm>>
    tpu.enqueue_dma source(%dma_start3A_97 : memref<512xi32, #tpu.memory_space<hbm>>) target(%dma_start3A_96 : memref<512xi32, #tpu.memory_space<vmem>>) target_semaphore(%arg9 : memref<!tpu.dma_semaphore, #tpu.memory_space<semaphore_mem>>)
    %add3A_98 = arith.constant 196608 : i32
    %add3A_99 = arith.addi %add3A_98, %mul3A_2 : i32
    %dma_start3A_100 = arith.constant 6144 : i32
    %dma_start3A_101 = tpu.memref_slice %arg6[%dma_start3A_100] : memref<10240xi32, #tpu.memory_space<vmem>> -> memref<512xi32, #tpu.memory_space<vmem>>
    %dma_start3A_102 = tpu.memref_slice %arg2[%add3A_99] : memref<393216xi32, #tpu.memory_space<hbm>> -> memref<512xi32, #tpu.memory_space<hbm>>
    %dma_start3A_103 = arith.constant 6144 : i32
    %dma_start3A_104 = tpu.memref_slice %arg6[%dma_start3A_103] : memref<10240xi32, #tpu.memory_space<vmem>> -> memref<512xi32, #tpu.memory_space<vmem>>
    %dma_start3A_105 = tpu.memref_slice %arg2[%add3A_99] : memref<393216xi32, #tpu.memory_space<hbm>> -> memref<512xi32, #tpu.memory_space<hbm>>
    tpu.enqueue_dma source(%dma_start3A_105 : memref<512xi32, #tpu.memory_space<hbm>>) target(%dma_start3A_104 : memref<512xi32, #tpu.memory_space<vmem>>) target_semaphore(%arg9 : memref<!tpu.dma_semaphore, #tpu.memory_space<semaphore_mem>>)
    %add3A_106 = arith.constant 212992 : i32
    %add3A_107 = arith.addi %add3A_106, %mul3A_2 : i32
    %dma_start3A_108 = arith.constant 6656 : i32
    %dma_start3A_109 = tpu.memref_slice %arg6[%dma_start3A_108] : memref<10240xi32, #tpu.memory_space<vmem>> -> memref<512xi32, #tpu.memory_space<vmem>>
    %dma_start3A_110 = tpu.memref_slice %arg2[%add3A_107] : memref<393216xi32, #tpu.memory_space<hbm>> -> memref<512xi32, #tpu.memory_space<hbm>>
    %dma_start3A_111 = arith.constant 6656 : i32
    %dma_start3A_112 = tpu.memref_slice %arg6[%dma_start3A_111] : memref<10240xi32, #tpu.memory_space<vmem>> -> memref<512xi32, #tpu.memory_space<vmem>>
    %dma_start3A_113 = tpu.memref_slice %arg2[%add3A_107] : memref<393216xi32, #tpu.memory_space<hbm>> -> memref<512xi32, #tpu.memory_space<hbm>>
    tpu.enqueue_dma source(%dma_start3A_113 : memref<512xi32, #tpu.memory_space<hbm>>) target(%dma_start3A_112 : memref<512xi32, #tpu.memory_space<vmem>>) target_semaphore(%arg9 : memref<!tpu.dma_semaphore, #tpu.memory_space<semaphore_mem>>)
    %add3A_114 = arith.constant 229376 : i32
    %add3A_115 = arith.addi %add3A_114, %mul3A_2 : i32
    %dma_start3A_116 = arith.constant 7168 : i32
    %dma_start3A_117 = tpu.memref_slice %arg6[%dma_start3A_116] : memref<10240xi32, #tpu.memory_space<vmem>> -> memref<512xi32, #tpu.memory_space<vmem>>
    %dma_start3A_118 = tpu.memref_slice %arg2[%add3A_115] : memref<393216xi32, #tpu.memory_space<hbm>> -> memref<512xi32, #tpu.memory_space<hbm>>
    %dma_start3A_119 = arith.constant 7168 : i32
    %dma_start3A_120 = tpu.memref_slice %arg6[%dma_start3A_119] : memref<10240xi32, #tpu.memory_space<vmem>> -> memref<512xi32, #tpu.memory_space<vmem>>
    %dma_start3A_121 = tpu.memref_slice %arg2[%add3A_115] : memref<393216xi32, #tpu.memory_space<hbm>> -> memref<512xi32, #tpu.memory_space<hbm>>
    tpu.enqueue_dma source(%dma_start3A_121 : memref<512xi32, #tpu.memory_space<hbm>>) target(%dma_start3A_120 : memref<512xi32, #tpu.memory_space<vmem>>) target_semaphore(%arg9 : memref<!tpu.dma_semaphore, #tpu.memory_space<semaphore_mem>>)
    %add3A_122 = arith.constant 245760 : i32
    %add3A_123 = arith.addi %add3A_122, %mul3A_2 : i32
    %dma_start3A_124 = arith.constant 7680 : i32
    %dma_start3A_125 = tpu.memref_slice %arg6[%dma_start3A_124] : memref<10240xi32, #tpu.memory_space<vmem>> -> memref<512xi32, #tpu.memory_space<vmem>>
    %dma_start3A_126 = tpu.memref_slice %arg2[%add3A_123] : memref<393216xi32, #tpu.memory_space<hbm>> -> memref<512xi32, #tpu.memory_space<hbm>>
    %dma_start3A_127 = arith.constant 7680 : i32
    %dma_start3A_128 = tpu.memref_slice %arg6[%dma_start3A_127] : memref<10240xi32, #tpu.memory_space<vmem>> -> memref<512xi32, #tpu.memory_space<vmem>>
    %dma_start3A_129 = tpu.memref_slice %arg2[%add3A_123] : memref<393216xi32, #tpu.memory_space<hbm>> -> memref<512xi32, #tpu.memory_space<hbm>>
    tpu.enqueue_dma source(%dma_start3A_129 : memref<512xi32, #tpu.memory_space<hbm>>) target(%dma_start3A_128 : memref<512xi32, #tpu.memory_space<vmem>>) target_semaphore(%arg9 : memref<!tpu.dma_semaphore, #tpu.memory_space<semaphore_mem>>)
    %add3A_130 = arith.constant 262144 : i32
    %add3A_131 = arith.addi %add3A_130, %mul3A_2 : i32
    %dma_start3A_132 = arith.constant 8192 : i32
    %dma_start3A_133 = tpu.memref_slice %arg6[%dma_start3A_132] : memref<10240xi32, #tpu.memory_space<vmem>> -> memref<512xi32, #tpu.memory_space<vmem>>
    %dma_start3A_134 = tpu.memref_slice %arg2[%add3A_131] : memref<393216xi32, #tpu.memory_space<hbm>> -> memref<512xi32, #tpu.memory_space<hbm>>
    %dma_start3A_135 = arith.constant 8192 : i32
    %dma_start3A_136 = tpu.memref_slice %arg6[%dma_start3A_135] : memref<10240xi32, #tpu.memory_space<vmem>> -> memref<512xi32, #tpu.memory_space<vmem>>
    %dma_start3A_137 = tpu.memref_slice %arg2[%add3A_131] : memref<393216xi32, #tpu.memory_space<hbm>> -> memref<512xi32, #tpu.memory_space<hbm>>
    tpu.enqueue_dma source(%dma_start3A_137 : memref<512xi32, #tpu.memory_space<hbm>>) target(%dma_start3A_136 : memref<512xi32, #tpu.memory_space<vmem>>) target_semaphore(%arg9 : memref<!tpu.dma_semaphore, #tpu.memory_space<semaphore_mem>>)
    %add3A_138 = arith.constant 278528 : i32
    %add3A_139 = arith.addi %add3A_138, %mul3A_2 : i32
    %dma_start3A_140 = arith.constant 8704 : i32
    %dma_start3A_141 = tpu.memref_slice %arg6[%dma_start3A_140] : memref<10240xi32, #tpu.memory_space<vmem>> -> memref<512xi32, #tpu.memory_space<vmem>>
    %dma_start3A_142 = tpu.memref_slice %arg2[%add3A_139] : memref<393216xi32, #tpu.memory_space<hbm>> -> memref<512xi32, #tpu.memory_space<hbm>>
    %dma_start3A_143 = arith.constant 8704 : i32
    %dma_start3A_144 = tpu.memref_slice %arg6[%dma_start3A_143] : memref<10240xi32, #tpu.memory_space<vmem>> -> memref<512xi32, #tpu.memory_space<vmem>>
    %dma_start3A_145 = tpu.memref_slice %arg2[%add3A_139] : memref<393216xi32, #tpu.memory_space<hbm>> -> memref<512xi32, #tpu.memory_space<hbm>>
    tpu.enqueue_dma source(%dma_start3A_145 : memref<512xi32, #tpu.memory_space<hbm>>) target(%dma_start3A_144 : memref<512xi32, #tpu.memory_space<vmem>>) target_semaphore(%arg9 : memref<!tpu.dma_semaphore, #tpu.memory_space<semaphore_mem>>)
    %add3A_146 = arith.constant 294912 : i32
    %add3A_147 = arith.addi %add3A_146, %mul3A_2 : i32
    %dma_start3A_148 = arith.constant 9216 : i32
    %dma_start3A_149 = tpu.memref_slice %arg6[%dma_start3A_148] : memref<10240xi32, #tpu.memory_space<vmem>> -> memref<512xi32, #tpu.memory_space<vmem>>
    %dma_start3A_150 = tpu.memref_slice %arg2[%add3A_147] : memref<393216xi32, #tpu.memory_space<hbm>> -> memref<512xi32, #tpu.memory_space<hbm>>
    %dma_start3A_151 = arith.constant 9216 : i32
    %dma_start3A_152 = tpu.memref_slice %arg6[%dma_start3A_151] : memref<10240xi32, #tpu.memory_space<vmem>> -> memref<512xi32, #tpu.memory_space<vmem>>
    %dma_start3A_153 = tpu.memref_slice %arg2[%add3A_147] : memref<393216xi32, #tpu.memory_space<hbm>> -> memref<512xi32, #tpu.memory_space<hbm>>
    tpu.enqueue_dma source(%dma_start3A_153 : memref<512xi32, #tpu.memory_space<hbm>>) target(%dma_start3A_152 : memref<512xi32, #tpu.memory_space<vmem>>) target_semaphore(%arg9 : memref<!tpu.dma_semaphore, #tpu.memory_space<semaphore_mem>>)
    %add3A_154 = arith.constant 311296 : i32
    %add3A_155 = arith.addi %add3A_154, %mul3A_2 : i32
    %dma_start3A_156 = arith.constant 9728 : i32
    %dma_start3A_157 = tpu.memref_slice %arg6[%dma_start3A_156] : memref<10240xi32, #tpu.memory_space<vmem>> -> memref<512xi32, #tpu.memory_space<vmem>>
    %dma_start3A_158 = tpu.memref_slice %arg2[%add3A_155] : memref<393216xi32, #tpu.memory_space<hbm>> -> memref<512xi32, #tpu.memory_space<hbm>>
    %dma_start3A_159 = arith.constant 9728 : i32
    %dma_start3A_160 = tpu.memref_slice %arg6[%dma_start3A_159] : memref<10240xi32, #tpu.memory_space<vmem>> -> memref<512xi32, #tpu.memory_space<vmem>>
    %dma_start3A_161 = tpu.memref_slice %arg2[%add3A_155] : memref<393216xi32, #tpu.memory_space<hbm>> -> memref<512xi32, #tpu.memory_space<hbm>>
    tpu.enqueue_dma source(%dma_start3A_161 : memref<512xi32, #tpu.memory_space<hbm>>) target(%dma_start3A_160 : memref<512xi32, #tpu.memory_space<vmem>>) target_semaphore(%arg9 : memref<!tpu.dma_semaphore, #tpu.memory_space<semaphore_mem>>)
    %eq3A = arith.constant 0 : i32
    %eq3A_162 = arith.cmpi eq, %arg1, %eq3A : i32
    %convert_element_type3A = arith.extui %eq3A_162 : i1 to i32
    %cond3A = arith.constant 0 : i32
    %cond3A_163 = arith.cmpi ne, %convert_element_type3A, %cond3A : i32
    scf.if %cond3A_163 {
      "tpu.region"() ({
        %run_scoped3A = tpu.sem_alloc : memref<!tpu.dma_semaphore, #tpu.memory_space<semaphore_mem>>
        tpu.enqueue_dma source(%arg3 : memref<100000xf32, #tpu.memory_space<hbm>>) target(%arg5 : memref<100000xf32, #tpu.memory_space<vmem_shared>>) target_semaphore(%run_scoped3A : memref<!tpu.dma_semaphore, #tpu.memory_space<semaphore_mem>>)
        tpu.wait_dma2 semaphore(%run_scoped3A : memref<!tpu.dma_semaphore, #tpu.memory_space<semaphore_mem>>) src(%arg3 : memref<100000xf32, #tpu.memory_space<hbm>>) dst(%arg5 : memref<100000xf32, #tpu.memory_space<vmem_shared>>)
        tpu.yield
      }) : () -> ()
    } else {
    }
    %dma_wait3A = arith.constant 0 : i32
    %dma_wait3A_164 = tpu.memref_slice %arg6[%dma_wait3A] : memref<10240xi32, #tpu.memory_space<vmem>> -> memref<512xi32, #tpu.memory_space<vmem>>
    %dma_wait3A_165 = tpu.memref_slice %arg2[%add3A_4] : memref<393216xi32, #tpu.memory_space<hbm>> -> memref<512xi32, #tpu.memory_space<hbm>>
    %dma_wait3A_166 = arith.constant 0 : i32
    %dma_wait3A_167 = tpu.memref_slice %arg6[%dma_wait3A_166] : memref<10240xi32, #tpu.memory_space<vmem>> -> memref<512xi32, #tpu.memory_space<vmem>>
    %dma_wait3A_168 = tpu.memref_slice %arg2[%add3A_4] : memref<393216xi32, #tpu.memory_space<hbm>> -> memref<512xi32, #tpu.memory_space<hbm>>
    tpu.wait_dma2 semaphore(%arg9 : memref<!tpu.dma_semaphore, #tpu.memory_space<semaphore_mem>>) src(%dma_wait3A_168 : memref<512xi32, #tpu.memory_space<hbm>>) dst(%dma_wait3A_167 : memref<512xi32, #tpu.memory_space<vmem>>)
    %dma_wait3A_169 = arith.constant 512 : i32
    %dma_wait3A_170 = tpu.memref_slice %arg6[%dma_wait3A_169] : memref<10240xi32, #tpu.memory_space<vmem>> -> memref<512xi32, #tpu.memory_space<vmem>>
    %dma_wait3A_171 = tpu.memref_slice %arg2[%add3A_11] : memref<393216xi32, #tpu.memory_space<hbm>> -> memref<512xi32, #tpu.memory_space<hbm>>
    %dma_wait3A_172 = arith.constant 512 : i32
    %dma_wait3A_173 = tpu.memref_slice %arg6[%dma_wait3A_172] : memref<10240xi32, #tpu.memory_space<vmem>> -> memref<512xi32, #tpu.memory_space<vmem>>
    %dma_wait3A_174 = tpu.memref_slice %arg2[%add3A_11] : memref<393216xi32, #tpu.memory_space<hbm>> -> memref<512xi32, #tpu.memory_space<hbm>>
    tpu.wait_dma2 semaphore(%arg9 : memref<!tpu.dma_semaphore, #tpu.memory_space<semaphore_mem>>) src(%dma_wait3A_174 : memref<512xi32, #tpu.memory_space<hbm>>) dst(%dma_wait3A_173 : memref<512xi32, #tpu.memory_space<vmem>>)
    %dma_wait3A_175 = arith.constant 1024 : i32
    %dma_wait3A_176 = tpu.memref_slice %arg6[%dma_wait3A_175] : memref<10240xi32, #tpu.memory_space<vmem>> -> memref<512xi32, #tpu.memory_space<vmem>>
    %dma_wait3A_177 = tpu.memref_slice %arg2[%add3A_19] : memref<393216xi32, #tpu.memory_space<hbm>> -> memref<512xi32, #tpu.memory_space<hbm>>
    %dma_wait3A_178 = arith.constant 1024 : i32
    %dma_wait3A_179 = tpu.memref_slice %arg6[%dma_wait3A_178] : memref<10240xi32, #tpu.memory_space<vmem>> -> memref<512xi32, #tpu.memory_space<vmem>>
    %dma_wait3A_180 = tpu.memref_slice %arg2[%add3A_19] : memref<393216xi32, #tpu.memory_space<hbm>> -> memref<512xi32, #tpu.memory_space<hbm>>
    tpu.wait_dma2 semaphore(%arg9 : memref<!tpu.dma_semaphore, #tpu.memory_space<semaphore_mem>>) src(%dma_wait3A_180 : memref<512xi32, #tpu.memory_space<hbm>>) dst(%dma_wait3A_179 : memref<512xi32, #tpu.memory_space<vmem>>)
    %dma_wait3A_181 = arith.constant 1536 : i32
    %dma_wait3A_182 = tpu.memref_slice %arg6[%dma_wait3A_181] : memref<10240xi32, #tpu.memory_space<vmem>> -> memref<512xi32, #tpu.memory_space<vmem>>
    %dma_wait3A_183 = tpu.memref_slice %arg2[%add3A_27] : memref<393216xi32, #tpu.memory_space<hbm>> -> memref<512xi32, #tpu.memory_space<hbm>>
    %dma_wait3A_184 = arith.constant 1536 : i32
    %dma_wait3A_185 = tpu.memref_slice %arg6[%dma_wait3A_184] : memref<10240xi32, #tpu.memory_space<vmem>> -> memref<512xi32, #tpu.memory_space<vmem>>
    %dma_wait3A_186 = tpu.memref_slice %arg2[%add3A_27] : memref<393216xi32, #tpu.memory_space<hbm>> -> memref<512xi32, #tpu.memory_space<hbm>>
    tpu.wait_dma2 semaphore(%arg9 : memref<!tpu.dma_semaphore, #tpu.memory_space<semaphore_mem>>) src(%dma_wait3A_186 : memref<512xi32, #tpu.memory_space<hbm>>) dst(%dma_wait3A_185 : memref<512xi32, #tpu.memory_space<vmem>>)
    %dma_wait3A_187 = arith.constant 2048 : i32
    %dma_wait3A_188 = tpu.memref_slice %arg6[%dma_wait3A_187] : memref<10240xi32, #tpu.memory_space<vmem>> -> memref<512xi32, #tpu.memory_space<vmem>>
    %dma_wait3A_189 = tpu.memref_slice %arg2[%add3A_35] : memref<393216xi32, #tpu.memory_space<hbm>> -> memref<512xi32, #tpu.memory_space<hbm>>
    %dma_wait3A_190 = arith.constant 2048 : i32
    %dma_wait3A_191 = tpu.memref_slice %arg6[%dma_wait3A_190] : memref<10240xi32, #tpu.memory_space<vmem>> -> memref<512xi32, #tpu.memory_space<vmem>>
    %dma_wait3A_192 = tpu.memref_slice %arg2[%add3A_35] : memref<393216xi32, #tpu.memory_space<hbm>> -> memref<512xi32, #tpu.memory_space<hbm>>
    tpu.wait_dma2 semaphore(%arg9 : memref<!tpu.dma_semaphore, #tpu.memory_space<semaphore_mem>>) src(%dma_wait3A_192 : memref<512xi32, #tpu.memory_space<hbm>>) dst(%dma_wait3A_191 : memref<512xi32, #tpu.memory_space<vmem>>)
    %dma_wait3A_193 = arith.constant 2560 : i32
    %dma_wait3A_194 = tpu.memref_slice %arg6[%dma_wait3A_193] : memref<10240xi32, #tpu.memory_space<vmem>> -> memref<512xi32, #tpu.memory_space<vmem>>
    %dma_wait3A_195 = tpu.memref_slice %arg2[%add3A_43] : memref<393216xi32, #tpu.memory_space<hbm>> -> memref<512xi32, #tpu.memory_space<hbm>>
    %dma_wait3A_196 = arith.constant 2560 : i32
    %dma_wait3A_197 = tpu.memref_slice %arg6[%dma_wait3A_196] : memref<10240xi32, #tpu.memory_space<vmem>> -> memref<512xi32, #tpu.memory_space<vmem>>
    %dma_wait3A_198 = tpu.memref_slice %arg2[%add3A_43] : memref<393216xi32, #tpu.memory_space<hbm>> -> memref<512xi32, #tpu.memory_space<hbm>>
    tpu.wait_dma2 semaphore(%arg9 : memref<!tpu.dma_semaphore, #tpu.memory_space<semaphore_mem>>) src(%dma_wait3A_198 : memref<512xi32, #tpu.memory_space<hbm>>) dst(%dma_wait3A_197 : memref<512xi32, #tpu.memory_space<vmem>>)
    %dma_wait3A_199 = arith.constant 3072 : i32
    %dma_wait3A_200 = tpu.memref_slice %arg6[%dma_wait3A_199] : memref<10240xi32, #tpu.memory_space<vmem>> -> memref<512xi32, #tpu.memory_space<vmem>>
    %dma_wait3A_201 = tpu.memref_slice %arg2[%add3A_51] : memref<393216xi32, #tpu.memory_space<hbm>> -> memref<512xi32, #tpu.memory_space<hbm>>
    %dma_wait3A_202 = arith.constant 3072 : i32
    %dma_wait3A_203 = tpu.memref_slice %arg6[%dma_wait3A_202] : memref<10240xi32, #tpu.memory_space<vmem>> -> memref<512xi32, #tpu.memory_space<vmem>>
    %dma_wait3A_204 = tpu.memref_slice %arg2[%add3A_51] : memref<393216xi32, #tpu.memory_space<hbm>> -> memref<512xi32, #tpu.memory_space<hbm>>
    tpu.wait_dma2 semaphore(%arg9 : memref<!tpu.dma_semaphore, #tpu.memory_space<semaphore_mem>>) src(%dma_wait3A_204 : memref<512xi32, #tpu.memory_space<hbm>>) dst(%dma_wait3A_203 : memref<512xi32, #tpu.memory_space<vmem>>)
    %dma_wait3A_205 = arith.constant 3584 : i32
    %dma_wait3A_206 = tpu.memref_slice %arg6[%dma_wait3A_205] : memref<10240xi32, #tpu.memory_space<vmem>> -> memref<512xi32, #tpu.memory_space<vmem>>
    %dma_wait3A_207 = tpu.memref_slice %arg2[%add3A_59] : memref<393216xi32, #tpu.memory_space<hbm>> -> memref<512xi32, #tpu.memory_space<hbm>>
    %dma_wait3A_208 = arith.constant 3584 : i32
    %dma_wait3A_209 = tpu.memref_slice %arg6[%dma_wait3A_208] : memref<10240xi32, #tpu.memory_space<vmem>> -> memref<512xi32, #tpu.memory_space<vmem>>
    %dma_wait3A_210 = tpu.memref_slice %arg2[%add3A_59] : memref<393216xi32, #tpu.memory_space<hbm>> -> memref<512xi32, #tpu.memory_space<hbm>>
    tpu.wait_dma2 semaphore(%arg9 : memref<!tpu.dma_semaphore, #tpu.memory_space<semaphore_mem>>) src(%dma_wait3A_210 : memref<512xi32, #tpu.memory_space<hbm>>) dst(%dma_wait3A_209 : memref<512xi32, #tpu.memory_space<vmem>>)
    %dma_wait3A_211 = arith.constant 4096 : i32
    %dma_wait3A_212 = tpu.memref_slice %arg6[%dma_wait3A_211] : memref<10240xi32, #tpu.memory_space<vmem>> -> memref<512xi32, #tpu.memory_space<vmem>>
    %dma_wait3A_213 = tpu.memref_slice %arg2[%add3A_67] : memref<393216xi32, #tpu.memory_space<hbm>> -> memref<512xi32, #tpu.memory_space<hbm>>
    %dma_wait3A_214 = arith.constant 4096 : i32
    %dma_wait3A_215 = tpu.memref_slice %arg6[%dma_wait3A_214] : memref<10240xi32, #tpu.memory_space<vmem>> -> memref<512xi32, #tpu.memory_space<vmem>>
    %dma_wait3A_216 = tpu.memref_slice %arg2[%add3A_67] : memref<393216xi32, #tpu.memory_space<hbm>> -> memref<512xi32, #tpu.memory_space<hbm>>
    tpu.wait_dma2 semaphore(%arg9 : memref<!tpu.dma_semaphore, #tpu.memory_space<semaphore_mem>>) src(%dma_wait3A_216 : memref<512xi32, #tpu.memory_space<hbm>>) dst(%dma_wait3A_215 : memref<512xi32, #tpu.memory_space<vmem>>)
    %dma_wait3A_217 = arith.constant 4608 : i32
    %dma_wait3A_218 = tpu.memref_slice %arg6[%dma_wait3A_217] : memref<10240xi32, #tpu.memory_space<vmem>> -> memref<512xi32, #tpu.memory_space<vmem>>
    %dma_wait3A_219 = tpu.memref_slice %arg2[%add3A_75] : memref<393216xi32, #tpu.memory_space<hbm>> -> memref<512xi32, #tpu.memory_space<hbm>>
    %dma_wait3A_220 = arith.constant 4608 : i32
    %dma_wait3A_221 = tpu.memref_slice %arg6[%dma_wait3A_220] : memref<10240xi32, #tpu.memory_space<vmem>> -> memref<512xi32, #tpu.memory_space<vmem>>
    %dma_wait3A_222 = tpu.memref_slice %arg2[%add3A_75] : memref<393216xi32, #tpu.memory_space<hbm>> -> memref<512xi32, #tpu.memory_space<hbm>>
    tpu.wait_dma2 semaphore(%arg9 : memref<!tpu.dma_semaphore, #tpu.memory_space<semaphore_mem>>) src(%dma_wait3A_222 : memref<512xi32, #tpu.memory_space<hbm>>) dst(%dma_wait3A_221 : memref<512xi32, #tpu.memory_space<vmem>>)
    %dma_wait3A_223 = arith.constant 5120 : i32
    %dma_wait3A_224 = tpu.memref_slice %arg6[%dma_wait3A_223] : memref<10240xi32, #tpu.memory_space<vmem>> -> memref<512xi32, #tpu.memory_space<vmem>>
    %dma_wait3A_225 = tpu.memref_slice %arg2[%add3A_83] : memref<393216xi32, #tpu.memory_space<hbm>> -> memref<512xi32, #tpu.memory_space<hbm>>
    %dma_wait3A_226 = arith.constant 5120 : i32
    %dma_wait3A_227 = tpu.memref_slice %arg6[%dma_wait3A_226] : memref<10240xi32, #tpu.memory_space<vmem>> -> memref<512xi32, #tpu.memory_space<vmem>>
    %dma_wait3A_228 = tpu.memref_slice %arg2[%add3A_83] : memref<393216xi32, #tpu.memory_space<hbm>> -> memref<512xi32, #tpu.memory_space<hbm>>
    tpu.wait_dma2 semaphore(%arg9 : memref<!tpu.dma_semaphore, #tpu.memory_space<semaphore_mem>>) src(%dma_wait3A_228 : memref<512xi32, #tpu.memory_space<hbm>>) dst(%dma_wait3A_227 : memref<512xi32, #tpu.memory_space<vmem>>)
    %dma_wait3A_229 = arith.constant 5632 : i32
    %dma_wait3A_230 = tpu.memref_slice %arg6[%dma_wait3A_229] : memref<10240xi32, #tpu.memory_space<vmem>> -> memref<512xi32, #tpu.memory_space<vmem>>
    %dma_wait3A_231 = tpu.memref_slice %arg2[%add3A_91] : memref<393216xi32, #tpu.memory_space<hbm>> -> memref<512xi32, #tpu.memory_space<hbm>>
    %dma_wait3A_232 = arith.constant 5632 : i32
    %dma_wait3A_233 = tpu.memref_slice %arg6[%dma_wait3A_232] : memref<10240xi32, #tpu.memory_space<vmem>> -> memref<512xi32, #tpu.memory_space<vmem>>
    %dma_wait3A_234 = tpu.memref_slice %arg2[%add3A_91] : memref<393216xi32, #tpu.memory_space<hbm>> -> memref<512xi32, #tpu.memory_space<hbm>>
    tpu.wait_dma2 semaphore(%arg9 : memref<!tpu.dma_semaphore, #tpu.memory_space<semaphore_mem>>) src(%dma_wait3A_234 : memref<512xi32, #tpu.memory_space<hbm>>) dst(%dma_wait3A_233 : memref<512xi32, #tpu.memory_space<vmem>>)
    %dma_wait3A_235 = arith.constant 6144 : i32
    %dma_wait3A_236 = tpu.memref_slice %arg6[%dma_wait3A_235] : memref<10240xi32, #tpu.memory_space<vmem>> -> memref<512xi32, #tpu.memory_space<vmem>>
    %dma_wait3A_237 = tpu.memref_slice %arg2[%add3A_99] : memref<393216xi32, #tpu.memory_space<hbm>> -> memref<512xi32, #tpu.memory_space<hbm>>
    %dma_wait3A_238 = arith.constant 6144 : i32
    %dma_wait3A_239 = tpu.memref_slice %arg6[%dma_wait3A_238] : memref<10240xi32, #tpu.memory_space<vmem>> -> memref<512xi32, #tpu.memory_space<vmem>>
    %dma_wait3A_240 = tpu.memref_slice %arg2[%add3A_99] : memref<393216xi32, #tpu.memory_space<hbm>> -> memref<512xi32, #tpu.memory_space<hbm>>
    tpu.wait_dma2 semaphore(%arg9 : memref<!tpu.dma_semaphore, #tpu.memory_space<semaphore_mem>>) src(%dma_wait3A_240 : memref<512xi32, #tpu.memory_space<hbm>>) dst(%dma_wait3A_239 : memref<512xi32, #tpu.memory_space<vmem>>)
    %dma_wait3A_241 = arith.constant 6656 : i32
    %dma_wait3A_242 = tpu.memref_slice %arg6[%dma_wait3A_241] : memref<10240xi32, #tpu.memory_space<vmem>> -> memref<512xi32, #tpu.memory_space<vmem>>
    %dma_wait3A_243 = tpu.memref_slice %arg2[%add3A_107] : memref<393216xi32, #tpu.memory_space<hbm>> -> memref<512xi32, #tpu.memory_space<hbm>>
    %dma_wait3A_244 = arith.constant 6656 : i32
    %dma_wait3A_245 = tpu.memref_slice %arg6[%dma_wait3A_244] : memref<10240xi32, #tpu.memory_space<vmem>> -> memref<512xi32, #tpu.memory_space<vmem>>
    %dma_wait3A_246 = tpu.memref_slice %arg2[%add3A_107] : memref<393216xi32, #tpu.memory_space<hbm>> -> memref<512xi32, #tpu.memory_space<hbm>>
    tpu.wait_dma2 semaphore(%arg9 : memref<!tpu.dma_semaphore, #tpu.memory_space<semaphore_mem>>) src(%dma_wait3A_246 : memref<512xi32, #tpu.memory_space<hbm>>) dst(%dma_wait3A_245 : memref<512xi32, #tpu.memory_space<vmem>>)
    %dma_wait3A_247 = arith.constant 7168 : i32
    %dma_wait3A_248 = tpu.memref_slice %arg6[%dma_wait3A_247] : memref<10240xi32, #tpu.memory_space<vmem>> -> memref<512xi32, #tpu.memory_space<vmem>>
    %dma_wait3A_249 = tpu.memref_slice %arg2[%add3A_115] : memref<393216xi32, #tpu.memory_space<hbm>> -> memref<512xi32, #tpu.memory_space<hbm>>
    %dma_wait3A_250 = arith.constant 7168 : i32
    %dma_wait3A_251 = tpu.memref_slice %arg6[%dma_wait3A_250] : memref<10240xi32, #tpu.memory_space<vmem>> -> memref<512xi32, #tpu.memory_space<vmem>>
    %dma_wait3A_252 = tpu.memref_slice %arg2[%add3A_115] : memref<393216xi32, #tpu.memory_space<hbm>> -> memref<512xi32, #tpu.memory_space<hbm>>
    tpu.wait_dma2 semaphore(%arg9 : memref<!tpu.dma_semaphore, #tpu.memory_space<semaphore_mem>>) src(%dma_wait3A_252 : memref<512xi32, #tpu.memory_space<hbm>>) dst(%dma_wait3A_251 : memref<512xi32, #tpu.memory_space<vmem>>)
    %dma_wait3A_253 = arith.constant 7680 : i32
    %dma_wait3A_254 = tpu.memref_slice %arg6[%dma_wait3A_253] : memref<10240xi32, #tpu.memory_space<vmem>> -> memref<512xi32, #tpu.memory_space<vmem>>
    %dma_wait3A_255 = tpu.memref_slice %arg2[%add3A_123] : memref<393216xi32, #tpu.memory_space<hbm>> -> memref<512xi32, #tpu.memory_space<hbm>>
    %dma_wait3A_256 = arith.constant 7680 : i32
    %dma_wait3A_257 = tpu.memref_slice %arg6[%dma_wait3A_256] : memref<10240xi32, #tpu.memory_space<vmem>> -> memref<512xi32, #tpu.memory_space<vmem>>
    %dma_wait3A_258 = tpu.memref_slice %arg2[%add3A_123] : memref<393216xi32, #tpu.memory_space<hbm>> -> memref<512xi32, #tpu.memory_space<hbm>>
    tpu.wait_dma2 semaphore(%arg9 : memref<!tpu.dma_semaphore, #tpu.memory_space<semaphore_mem>>) src(%dma_wait3A_258 : memref<512xi32, #tpu.memory_space<hbm>>) dst(%dma_wait3A_257 : memref<512xi32, #tpu.memory_space<vmem>>)
    %dma_wait3A_259 = arith.constant 8192 : i32
    %dma_wait3A_260 = tpu.memref_slice %arg6[%dma_wait3A_259] : memref<10240xi32, #tpu.memory_space<vmem>> -> memref<512xi32, #tpu.memory_space<vmem>>
    %dma_wait3A_261 = tpu.memref_slice %arg2[%add3A_131] : memref<393216xi32, #tpu.memory_space<hbm>> -> memref<512xi32, #tpu.memory_space<hbm>>
    %dma_wait3A_262 = arith.constant 8192 : i32
    %dma_wait3A_263 = tpu.memref_slice %arg6[%dma_wait3A_262] : memref<10240xi32, #tpu.memory_space<vmem>> -> memref<512xi32, #tpu.memory_space<vmem>>
    %dma_wait3A_264 = tpu.memref_slice %arg2[%add3A_131] : memref<393216xi32, #tpu.memory_space<hbm>> -> memref<512xi32, #tpu.memory_space<hbm>>
    tpu.wait_dma2 semaphore(%arg9 : memref<!tpu.dma_semaphore, #tpu.memory_space<semaphore_mem>>) src(%dma_wait3A_264 : memref<512xi32, #tpu.memory_space<hbm>>) dst(%dma_wait3A_263 : memref<512xi32, #tpu.memory_space<vmem>>)
    %dma_wait3A_265 = arith.constant 8704 : i32
    %dma_wait3A_266 = tpu.memref_slice %arg6[%dma_wait3A_265] : memref<10240xi32, #tpu.memory_space<vmem>> -> memref<512xi32, #tpu.memory_space<vmem>>
    %dma_wait3A_267 = tpu.memref_slice %arg2[%add3A_139] : memref<393216xi32, #tpu.memory_space<hbm>> -> memref<512xi32, #tpu.memory_space<hbm>>
    %dma_wait3A_268 = arith.constant 8704 : i32
    %dma_wait3A_269 = tpu.memref_slice %arg6[%dma_wait3A_268] : memref<10240xi32, #tpu.memory_space<vmem>> -> memref<512xi32, #tpu.memory_space<vmem>>
    %dma_wait3A_270 = tpu.memref_slice %arg2[%add3A_139] : memref<393216xi32, #tpu.memory_space<hbm>> -> memref<512xi32, #tpu.memory_space<hbm>>
    tpu.wait_dma2 semaphore(%arg9 : memref<!tpu.dma_semaphore, #tpu.memory_space<semaphore_mem>>) src(%dma_wait3A_270 : memref<512xi32, #tpu.memory_space<hbm>>) dst(%dma_wait3A_269 : memref<512xi32, #tpu.memory_space<vmem>>)
    %dma_wait3A_271 = arith.constant 9216 : i32
    %dma_wait3A_272 = tpu.memref_slice %arg6[%dma_wait3A_271] : memref<10240xi32, #tpu.memory_space<vmem>> -> memref<512xi32, #tpu.memory_space<vmem>>
    %dma_wait3A_273 = tpu.memref_slice %arg2[%add3A_147] : memref<393216xi32, #tpu.memory_space<hbm>> -> memref<512xi32, #tpu.memory_space<hbm>>
    %dma_wait3A_274 = arith.constant 9216 : i32
    %dma_wait3A_275 = tpu.memref_slice %arg6[%dma_wait3A_274] : memref<10240xi32, #tpu.memory_space<vmem>> -> memref<512xi32, #tpu.memory_space<vmem>>
    %dma_wait3A_276 = tpu.memref_slice %arg2[%add3A_147] : memref<393216xi32, #tpu.memory_space<hbm>> -> memref<512xi32, #tpu.memory_space<hbm>>
    tpu.wait_dma2 semaphore(%arg9 : memref<!tpu.dma_semaphore, #tpu.memory_space<semaphore_mem>>) src(%dma_wait3A_276 : memref<512xi32, #tpu.memory_space<hbm>>) dst(%dma_wait3A_275 : memref<512xi32, #tpu.memory_space<vmem>>)
    %dma_wait3A_277 = arith.constant 9728 : i32
    %dma_wait3A_278 = tpu.memref_slice %arg6[%dma_wait3A_277] : memref<10240xi32, #tpu.memory_space<vmem>> -> memref<512xi32, #tpu.memory_space<vmem>>
    %dma_wait3A_279 = tpu.memref_slice %arg2[%add3A_155] : memref<393216xi32, #tpu.memory_space<hbm>> -> memref<512xi32, #tpu.memory_space<hbm>>
    %dma_wait3A_280 = arith.constant 9728 : i32
    %dma_wait3A_281 = tpu.memref_slice %arg6[%dma_wait3A_280] : memref<10240xi32, #tpu.memory_space<vmem>> -> memref<512xi32, #tpu.memory_space<vmem>>
    %dma_wait3A_282 = tpu.memref_slice %arg2[%add3A_155] : memref<393216xi32, #tpu.memory_space<hbm>> -> memref<512xi32, #tpu.memory_space<hbm>>
    tpu.wait_dma2 semaphore(%arg9 : memref<!tpu.dma_semaphore, #tpu.memory_space<semaphore_mem>>) src(%dma_wait3A_282 : memref<512xi32, #tpu.memory_space<hbm>>) dst(%dma_wait3A_281 : memref<512xi32, #tpu.memory_space<vmem>>)
    %barrier3A = arith.constant 0 : index
    tpu.barrier barrier_id(%barrier3A)
    %dma_start3A_283 = arith.constant 0 : i32
    %dma_start3A_284 = tpu.memref_slice %arg5[%dma_start3A_283] : memref<100000xf32, #tpu.memory_space<vmem_shared>> -> memref<100000xf32, #tpu.memory_space<vmem_shared>>
    tpu.enqueue_indirect_dma source(%dma_start3A_284 : memref<100000xf32, #tpu.memory_space<vmem_shared>>) target(%arg7 : memref<10240xf32, #tpu.memory_space<vmem>>) offsets(%arg6 : memref<10240xi32, #tpu.memory_space<vmem>>) semaphore(%arg10 : memref<!tpu.dma_semaphore, #tpu.memory_space<semaphore_mem>>)
    %dma_wait3A_285 = arith.constant 0 : i32
    %dma_wait3A_286 = tpu.memref_slice %arg5[%dma_wait3A_285] : memref<100000xf32, #tpu.memory_space<vmem_shared>> -> memref<100000xf32, #tpu.memory_space<vmem_shared>>
    tpu.wait_indirect_dma semaphore(%arg10 : memref<!tpu.dma_semaphore, #tpu.memory_space<semaphore_mem>>) src(%dma_wait3A_286 : memref<100000xf32, #tpu.memory_space<vmem_shared>>) dst(%arg7 : memref<10240xf32, #tpu.memory_space<vmem>>)
    %scan3A = arith.constant 0 : i32
    %scan3A_287 = arith.constant 0 : i32
    %scan3A_288 = arith.constant 32 : i32
    %scan3A_289 = arith.addi %scan3A_287, %scan3A_288 : i32
    %scan3A_290 = arith.constant 1 : i32
    scf.for %scan3A_294 = %scan3A_287 to %scan3A_289 step %scan3A_290  : i32 {
      %mul3A_295 = arith.constant 16 : i32
      %mul3A_296 = arith.muli %scan3A_294, %mul3A_295 : i32
      %get3A = arith.index_cast %mul3A_296 : i32 to index
      %get3A_297 = tpu.vector_load %arg7[%get3A] {strides = array<i32>} : memref<10240xf32, #tpu.memory_space<vmem>>, vector<16xf32>,
      %add3A_298 = arith.constant 512 : i32
      %add3A_299 = arith.addi %add3A_298, %mul3A_296 : i32
      %get3A_300 = arith.index_cast %add3A_299 : i32 to index
      %get3A_301 = tpu.vector_load %arg7[%get3A_300] {strides = array<i32>} : memref<10240xf32, #tpu.memory_space<vmem>>, vector<16xf32>,
      %add3A_302 = arith.addf %get3A_297, %get3A_301 : vector<16xf32>
      %add3A_303 = arith.constant 1024 : i32
      %add3A_304 = arith.addi %add3A_303, %mul3A_296 : i32
      %get3A_305 = arith.index_cast %add3A_304 : i32 to index
      %get3A_306 = tpu.vector_load %arg7[%get3A_305] {strides = array<i32>} : memref<10240xf32, #tpu.memory_space<vmem>>, vector<16xf32>,
      %add3A_307 = arith.addf %add3A_302, %get3A_306 : vector<16xf32>
      %add3A_308 = arith.constant 1536 : i32
      %add3A_309 = arith.addi %add3A_308, %mul3A_296 : i32
      %get3A_310 = arith.index_cast %add3A_309 : i32 to index
      %get3A_311 = tpu.vector_load %arg7[%get3A_310] {strides = array<i32>} : memref<10240xf32, #tpu.memory_space<vmem>>, vector<16xf32>,
      %add3A_312 = arith.addf %add3A_307, %get3A_311 : vector<16xf32>
      %add3A_313 = arith.constant 2048 : i32
      %add3A_314 = arith.addi %add3A_313, %mul3A_296 : i32
      %get3A_315 = arith.index_cast %add3A_314 : i32 to index
      %get3A_316 = tpu.vector_load %arg7[%get3A_315] {strides = array<i32>} : memref<10240xf32, #tpu.memory_space<vmem>>, vector<16xf32>,
      %add3A_317 = arith.addf %add3A_312, %get3A_316 : vector<16xf32>
      %add3A_318 = arith.constant 2560 : i32
      %add3A_319 = arith.addi %add3A_318, %mul3A_296 : i32
      %get3A_320 = arith.index_cast %add3A_319 : i32 to index
      %get3A_321 = tpu.vector_load %arg7[%get3A_320] {strides = array<i32>} : memref<10240xf32, #tpu.memory_space<vmem>>, vector<16xf32>,
      %add3A_322 = arith.addf %add3A_317, %get3A_321 : vector<16xf32>
      %add3A_323 = arith.constant 3072 : i32
      %add3A_324 = arith.addi %add3A_323, %mul3A_296 : i32
      %get3A_325 = arith.index_cast %add3A_324 : i32 to index
      %get3A_326 = tpu.vector_load %arg7[%get3A_325] {strides = array<i32>} : memref<10240xf32, #tpu.memory_space<vmem>>, vector<16xf32>,
      %add3A_327 = arith.addf %add3A_322, %get3A_326 : vector<16xf32>
      %add3A_328 = arith.constant 3584 : i32
      %add3A_329 = arith.addi %add3A_328, %mul3A_296 : i32
      %get3A_330 = arith.index_cast %add3A_329 : i32 to index
      %get3A_331 = tpu.vector_load %arg7[%get3A_330] {strides = array<i32>} : memref<10240xf32, #tpu.memory_space<vmem>>, vector<16xf32>,
      %add3A_332 = arith.addf %add3A_327, %get3A_331 : vector<16xf32>
      %add3A_333 = arith.constant 4096 : i32
      %add3A_334 = arith.addi %add3A_333, %mul3A_296 : i32
      %get3A_335 = arith.index_cast %add3A_334 : i32 to index
      %get3A_336 = tpu.vector_load %arg7[%get3A_335] {strides = array<i32>} : memref<10240xf32, #tpu.memory_space<vmem>>, vector<16xf32>,
      %add3A_337 = arith.addf %add3A_332, %get3A_336 : vector<16xf32>
      %add3A_338 = arith.constant 4608 : i32
      %add3A_339 = arith.addi %add3A_338, %mul3A_296 : i32
      %get3A_340 = arith.index_cast %add3A_339 : i32 to index
      %get3A_341 = tpu.vector_load %arg7[%get3A_340] {strides = array<i32>} : memref<10240xf32, #tpu.memory_space<vmem>>, vector<16xf32>,
      %add3A_342 = arith.addf %add3A_337, %get3A_341 : vector<16xf32>
      %add3A_343 = arith.constant 5120 : i32
      %add3A_344 = arith.addi %add3A_343, %mul3A_296 : i32
      %get3A_345 = arith.index_cast %add3A_344 : i32 to index
      %get3A_346 = tpu.vector_load %arg7[%get3A_345] {strides = array<i32>} : memref<10240xf32, #tpu.memory_space<vmem>>, vector<16xf32>,
      %add3A_347 = arith.addf %add3A_342, %get3A_346 : vector<16xf32>
      %add3A_348 = arith.constant 5632 : i32
      %add3A_349 = arith.addi %add3A_348, %mul3A_296 : i32
      %get3A_350 = arith.index_cast %add3A_349 : i32 to index
      %get3A_351 = tpu.vector_load %arg7[%get3A_350] {strides = array<i32>} : memref<10240xf32, #tpu.memory_space<vmem>>, vector<16xf32>,
      %add3A_352 = arith.addf %add3A_347, %get3A_351 : vector<16xf32>
      %add3A_353 = arith.constant 6144 : i32
      %add3A_354 = arith.addi %add3A_353, %mul3A_296 : i32
      %get3A_355 = arith.index_cast %add3A_354 : i32 to index
      %get3A_356 = tpu.vector_load %arg7[%get3A_355] {strides = array<i32>} : memref<10240xf32, #tpu.memory_space<vmem>>, vector<16xf32>,
      %add3A_357 = arith.addf %add3A_352, %get3A_356 : vector<16xf32>
      %add3A_358 = arith.constant 6656 : i32
      %add3A_359 = arith.addi %add3A_358, %mul3A_296 : i32
      %get3A_360 = arith.index_cast %add3A_359 : i32 to index
      %get3A_361 = tpu.vector_load %arg7[%get3A_360] {strides = array<i32>} : memref<10240xf32, #tpu.memory_space<vmem>>, vector<16xf32>,
      %add3A_362 = arith.addf %add3A_357, %get3A_361 : vector<16xf32>
      %add3A_363 = arith.constant 7168 : i32
      %add3A_364 = arith.addi %add3A_363, %mul3A_296 : i32
      %get3A_365 = arith.index_cast %add3A_364 : i32 to index
      %get3A_366 = tpu.vector_load %arg7[%get3A_365] {strides = array<i32>} : memref<10240xf32, #tpu.memory_space<vmem>>, vector<16xf32>,
      %add3A_367 = arith.addf %add3A_362, %get3A_366 : vector<16xf32>
      %add3A_368 = arith.constant 7680 : i32
      %add3A_369 = arith.addi %add3A_368, %mul3A_296 : i32
      %get3A_370 = arith.index_cast %add3A_369 : i32 to index
      %get3A_371 = tpu.vector_load %arg7[%get3A_370] {strides = array<i32>} : memref<10240xf32, #tpu.memory_space<vmem>>, vector<16xf32>,
      %add3A_372 = arith.addf %add3A_367, %get3A_371 : vector<16xf32>
      %add3A_373 = arith.constant 8192 : i32
      %add3A_374 = arith.addi %add3A_373, %mul3A_296 : i32
      %get3A_375 = arith.index_cast %add3A_374 : i32 to index
      %get3A_376 = tpu.vector_load %arg7[%get3A_375] {strides = array<i32>} : memref<10240xf32, #tpu.memory_space<vmem>>, vector<16xf32>,
      %add3A_377 = arith.addf %add3A_372, %get3A_376 : vector<16xf32>
      %add3A_378 = arith.constant 8704 : i32
      %add3A_379 = arith.addi %add3A_378, %mul3A_296 : i32
      %get3A_380 = arith.index_cast %add3A_379 : i32 to index
      %get3A_381 = tpu.vector_load %arg7[%get3A_380] {strides = array<i32>} : memref<10240xf32, #tpu.memory_space<vmem>>, vector<16xf32>,
      %add3A_382 = arith.addf %add3A_377, %get3A_381 : vector<16xf32>
      %add3A_383 = arith.constant 9216 : i32
      %add3A_384 = arith.addi %add3A_383, %mul3A_296 : i32
      %get3A_385 = arith.index_cast %add3A_384 : i32 to index
      %get3A_386 = tpu.vector_load %arg7[%get3A_385] {strides = array<i32>} : memref<10240xf32, #tpu.memory_space<vmem>>, vector<16xf32>,
      %add3A_387 = arith.addf %add3A_382, %get3A_386 : vector<16xf32>
      %add3A_388 = arith.constant 9728 : i32
      %add3A_389 = arith.addi %add3A_388, %mul3A_296 : i32
      %get3A_390 = arith.index_cast %add3A_389 : i32 to index
      %get3A_391 = tpu.vector_load %arg7[%get3A_390] {strides = array<i32>} : memref<10240xf32, #tpu.memory_space<vmem>>, vector<16xf32>,
      %add3A_392 = arith.addf %add3A_387, %get3A_391 : vector<16xf32>
      %swap3A = arith.index_cast %mul3A_296 : i32 to index
      %swap3A_393 = tpu.vector_load %arg8[%swap3A] {strides = array<i32>} : memref<512xf32, #tpu.memory_space<vmem>>, vector<16xf32>,
      tpu.vector_store %arg8[%swap3A], %add3A_392 {strides = array<i32>} : memref<512xf32, #tpu.memory_space<vmem>>, vector<16xf32>,
    }
    %scan3A_291 = arith.constant 32 : i32
    %mul3A_292 = arith.constant 512 : i32
    %mul3A_293 = arith.muli %add3A, %mul3A_292 : i32
    "tpu.region"() ({
      %run_scoped3A = tpu.sem_alloc : memref<!tpu.dma_semaphore, #tpu.memory_space<semaphore_mem>>
      %dma_start3A_294 = tpu.memref_slice %arg4[%mul3A_293] : memref<16384xf32, #tpu.memory_space<hbm>> -> memref<512xf32, #tpu.memory_space<hbm>>
      %dma_start3A_295 = tpu.memref_slice %arg4[%mul3A_293] : memref<16384xf32, #tpu.memory_space<hbm>> -> memref<512xf32, #tpu.memory_space<hbm>>
      tpu.enqueue_dma source(%arg8 : memref<512xf32, #tpu.memory_space<vmem>>) target(%dma_start3A_295 : memref<512xf32, #tpu.memory_space<hbm>>) target_semaphore(%run_scoped3A : memref<!tpu.dma_semaphore, #tpu.memory_space<semaphore_mem>>)
      %dma_wait3A_296 = tpu.memref_slice %arg4[%mul3A_293] : memref<16384xf32, #tpu.memory_space<hbm>> -> memref<512xf32, #tpu.memory_space<hbm>>
      %dma_wait3A_297 = tpu.memref_slice %arg4[%mul3A_293] : memref<16384xf32, #tpu.memory_space<hbm>> -> memref<512xf32, #tpu.memory_space<hbm>>
      tpu.wait_dma2 semaphore(%run_scoped3A : memref<!tpu.dma_semaphore, #tpu.memory_space<semaphore_mem>>) src(%arg8 : memref<512xf32, #tpu.memory_space<vmem>>) dst(%dma_wait3A_297 : memref<512xf32, #tpu.memory_space<hbm>>)
      tpu.yield
    }) : () -> ()
    return
  }
}

</mosaic_0001>

<sc_bundles>
// kernel: kernel.3.cloned.1.call-start
scs
__scs_entry_jumppad:
0x0: {  	(pc) =	sbr.rel $0x88, $3  }
0x1: {  	(tag) =	ssettag $0x0;
	lr =	simm.s32 $0x1  }
0x2: {  	[smem:$0x3F9F] =	sst lr;
	_ =	strace $0xD0000000  }
0x3: {  	_ = 	snop  }
0x4: {  	_ = 	snop  }
0x5: {  	_ = 	snop  }
0x6: {  	_ = 	snop  }
0x7: {  	_ = 	snop  }
__scs_overlays_trampoline_lowered:
0x8: {  	[smem:$0x3FAE] =	sst s0  }
0x9: {  	[smem:$0x3FAF] =	sst s1  }
0xa: {  	[smem:$0x3FB0] =	sst s2  }
0xb: {  	[smem:$0x3FB1] =	sst s3  }
0xc: {  	[smem:$0x3FB2] =	sst s4  }
0xd: {  	[smem:$0x3FB3] =	sst s5  }
0xe: {  	[smem:$0x3FB4] =	sst s6  }
0xf: {  	[smem:$0x3FB5] =	sst s7  }
0x10: {  	[smem:$0x3FB6] =	sst s8  }
0x11: {  	[smem:$0x3FB7] =	sst s9;
	s0 =	simm.s32 @!p0 $0x0  }
0x12: {  	s1 =	sld [smem:$0x3F9D];
	s0 =	simm.s32 @p0 $0x1  }
0x13: {  	[smem:$0x3FB8] =	sst s0;
	s0 =	simm.s32 @!p1 $0x0  }
0x14: {  	s2 =	sld [smem:$0x3F9C];
	s0 =	simm.s32 @p1 $0x1  }
0x15: {  	[smem:$0x3FB9] =	sst s0;
	s0 =	simm.s32 @!p2 $0x0  }
0x16: {  	s3 =	sld [smem:$0x3FDB];
	s0 =	simm.s32 @p2 $0x1  }
0x17: {  	s4 =	simm.s32 $0x1BF5;
	[smem:$0x3FBB] =	sst s0  }
0x18: {  	s0 =	sld [smem:$0x3F9E];
	_ =	swait.ge [sflag:s4], $0x0  }
0x19: {  	s7 =	sld [smem:$0x3F9F]  }
0x1a: {  	s8 =	sadd.s32 $0xFFFFE003, lr  }
0x1b: {  	s9 =	sadd.s32 $0xFFFFFEF7, lr;
	s5 =	simm.s32 $0xFFFFFFFF;
	p2 =	slt.u32 s8, $0xFFFFF086  }
0x1c: {  	p1 =	slt.u32 s9, $0xF7A;
	s5 =	simm.s32 @!p2 $0x0  }
0x1d: {  	s5 =	simm.s32 @p1 $0x1;
	p0 =	seq.s32 s7, s2  }
0x1e: {  	s7 =	smul.u32 @!p0 $0xF7A, s2;
	p2 =	seq.s32 @!p0 s5, $0x0  }
0x1f: {  	s9 =	smul.u32 $0xF7A, s1;
	s8 =	simm.s32 @!p0 $0x1BF5;
	p2 =	por !p2, p0  }
0x20: {  	[sflag:s8] =	ssyncset.s32 @!p0 $0xFFFFF086;
	s6 =	sadd.s32 @!p0 s3, s7;
	s7 =	simm.s32 @!p0 $0x108  }
0x21: {  	s3 =	sadd.s32 s3, s9;
	s6 =	sadd.s32 @!p0 $0x88, s6;
	s7 =	simm.s32 @p2 $0x1082  }
0x22: {  	[simem:s7], [sflag:s8] =	dma.local @!p0 [hbm:s6], $0xF7A  }
0x23: {  	s9 =	sor.u32 $0xD0000000, s2;
	s6 =	simm.s32 $0x108;
	_ =	swait.ge @!p0 [sflag:s8], $0x0  }
0x24: {  	s3 =	sadd.s32 $0x88, s3;
	s6 =	simm.s32 @!p1 $0x1082;
	[sflag:s4] =	ssyncset.s32 $0xFFFFF086  }
0x25: {  	[simem:s6], [sflag:s4] =	dma.local [hbm:s3], $0xF7A  }
0x26: {  	[smem:$0x3F9F] =	sst s1;
	(tag) =	ssettag s2;
	_ =	strace s9  }
0x27: {  	s1 =	sld [smem:$0x3FAF]  }
0x28: {  	s2 =	sld [smem:$0x3FB0]  }
0x29: {  	s4 =	sld [smem:$0x3FB2]  }
0x2a: {  	p0 =	seq.s32 s5, $0x0;
	s5 =	sld [smem:$0x3FB3]  }
0x2b: {  	s6 =	sld [smem:$0x3FB4]  }
0x2c: {  	s7 =	sld [smem:$0x3FB5]  }
0x2d: {  	s3 =	simm.s32 $0x108;
	s8 =	sld [smem:$0x3FB6]  }
0x2e: {  	s3 =	simm.s32 @!p0 $0x1082;
	s9 =	sld [smem:$0x3FB7]  }
0x2f: {  	lr =	sadd.s32 s0, s3;
	s0 =	sld [smem:$0x3FAE]  }
0x30: {  	s3 =	sld [smem:$0x3FB1]  }
0x31: {  	[smem:$0x3FBA] =	sst s10  }
0x32: {  	s10 =	sld [smem:$0x3FB8];
	_ =	sdelay $0x3  }
0x33: {  	p0 =	seq.s32 s10, $0x1;
	s10 =	sld [smem:$0x3FBA];
	_ =	sdelay $0x3  }
0x34: {  	[smem:$0x3FBA] =	sst s10  }
0x35: {  	s10 =	sld [smem:$0x3FB9];
	_ =	sdelay $0x3  }
0x36: {  	p1 =	seq.s32 s10, $0x1;
	s10 =	sld [smem:$0x3FBA];
	_ =	sdelay $0x3  }
0x37: {  	[smem:$0x3FBA] =	sst s10  }
0x38: {  	s10 =	sld [smem:$0x3FBB]  }
0x39: {  	_ = 	snop;
	(pc) =	sbr.ind lr, $3  }
0x3a: {  	_ = 	snop  }
0x3b: {  	_ = 	snop  }
0x3c: {  	p2 =	seq.s32 s10, $0x1;
	s10 =	sld [smem:$0x3FBA]  }
0x3d: {  	_ =	shalt  }
0x3e: {  	_ =	shalt  }
0x3f: {  	_ =	shalt  }
0x40: {  	_ =	shalt  }
0x41: {  	_ =	shalt  }
0x42: {  	_ =	shalt  }
0x43: {  	_ =	shalt  }
0x44: {  	_ =	shalt  }
0x45: {  	_ =	shalt  }
0x46: {  	_ =	shalt  }
0x47: {  	_ =	shalt  }
0x48: {  	_ =	shalt  }
0x49: {  	_ =	shalt  }
0x4a: {  	_ =	shalt  }
0x4b: {  	_ =	shalt  }
0x4c: {  	_ =	shalt  }
0x4d: {  	_ =	shalt  }
0x4e: {  	_ =	shalt  }
0x4f: {  	_ =	shalt  }
0x50: {  	_ =	shalt  }
0x51: {  	_ =	shalt  }
0x52: {  	_ =	shalt  }
0x53: {  	_ =	shalt  }
0x54: {  	_ =	shalt  }
0x55: {  	_ =	shalt  }
0x56: {  	_ =	shalt  }
0x57: {  	_ =	shalt  }
0x58: {  	_ =	shalt  }
0x59: {  	_ =	shalt  }
0x5a: {  	_ =	shalt  }
0x5b: {  	_ =	shalt  }
0x5c: {  	_ =	shalt  }
0x5d: {  	_ =	shalt  }
0x5e: {  	_ =	shalt  }
0x5f: {  	_ =	shalt  }
0x60: {  	_ =	shalt  }
0x61: {  	_ =	shalt  }
0x62: {  	_ =	shalt  }
0x63: {  	_ =	shalt  }
0x64: {  	_ =	shalt  }
0x65: {  	_ =	shalt  }
0x66: {  	_ =	shalt  }
0x67: {  	_ =	shalt  }
0x68: {  	_ =	shalt  }
0x69: {  	_ =	shalt  }
0x6a: {  	_ =	shalt  }
0x6b: {  	_ =	shalt  }
0x6c: {  	_ =	shalt  }
0x6d: {  	_ =	shalt  }
0x6e: {  	_ =	shalt  }
0x6f: {  	_ =	shalt  }
0x70: {  	_ =	shalt  }
0x71: {  	_ =	shalt  }
0x72: {  	_ =	shalt  }
0x73: {  	_ =	shalt  }
0x74: {  	_ =	shalt  }
0x75: {  	_ =	shalt  }
0x76: {  	_ =	shalt  }
0x77: {  	_ =	shalt  }
0x78: {  	_ =	shalt  }
0x79: {  	_ =	shalt  }
0x7a: {  	_ =	shalt  }
0x7b: {  	_ =	shalt  }
0x7c: {  	_ =	shalt  }
0x7d: {  	_ =	shalt  }
0x7e: {  	_ =	shalt  }
0x7f: {  	_ =	shalt  }
0x80: {  	_ =	shalt  }
0x81: {  	_ =	shalt  }
0x82: {  	_ =	shalt  }
0x83: {  	_ =	shalt  }
0x84: {  	_ =	shalt  }
0x85: {  	_ =	shalt  }
0x86: {  	_ =	shalt  }
0x87: {  	_ =	shalt  }
.Lfunc_end0:
.L_simem_size_0:
called_computation_lowered:
.L_overlay_start_0:
0x88: {  	s2 =	sld [smem:$0x3FD9]  }
0x89: {  	s3 =	sld [smem:$0x3FFE];
	_ =	sdelay $0x1  }
0x8a: {  	s1 =	srdreg.scid  }
0x8b: {  	s0 =	sand.u32 $0x1, s1  }
0x8c: {  	s17 =	sshll.u32 s0, $0xA;
	s2 =	sadd.s32 s3, s2  }
0x8d: {  	s2 =	sadd.s32 s2, s17  }
0x8e: {  	[smem:$0x3FC6] =	sst s2  }
0x8f: {  	_ = 	snop  }
0x90: {  	s2 =	sld [smem:$0x3FD0];
	(tm) =	ssettm $0x1  }
0x91: {  	s18 =	sld [smem:$0x3FFB];
	_ =	sdelay $0x3  }
0x92: {  	_ =	strace s18  }
0x93: {  	s3 =	sld [smem:$0x3FFC];
	_ =	sdelay $0x3  }
0x94: {  	_ =	strace s3  }
0x95: {  	s3 =	sld [smem:$0x3FFD];
	_ =	sdelay $0x3  }
0x96: {  	_ =	strace s3  }
0x97: {  	_ =	strace $0x8FFFFFFF  }
0x98: {  	s19 =	sld [smem:$0x3FDB];
	_ =	sdelay $0x1  }
0x99: {  	s4 =	simm.s32 $_scs_section_size  }
0x9a: {  	s5 =	simm.s32 $_size__tile_overlayer_lowered;
	s6 =	simm.s32 $_tile_overlayer_lowered  }
0x9b: {  	s22 =	simm.s32 $0x1BFF;
	s21 =	sshll.u32 s6, $0x1;
	s3 =	sadd.s32 s4, s19  }
0x9c: {  	s7 =	simm.s32 $0x0;
	s20 =	sshll.u32 s5, $0x1;
	s5 =	sadd.s32 s21, s3  }
0x9d: {  	[timem:s7], [sflag:s22] =	dma.local [hbm:s5], s20  }
0x9e: {  	_ =	swait.ge [sflag:s22], s20  }
0x9f: {  	s4 =	ssub.s32 $0x0, s20;
	[sflag:s22] =	ssyncset.done $0x0  }
0xa0: {  	[sflag:s22] =	ssyncadd.s32 s4;
	_ =	sdelay $0x1  }
0xa1: {  	s23 =	simm.s32 $0x1B8B  }
0xa2: {  	_ =	swait.ge [sflag:s23], $0x1  }
0xa3: {  	[sflag:s23] =	ssyncset.done $0x0  }
0xa4: {  	s25 =	simm.s32 $0x1B8E;
	s24 =	sld [smem:$0x3FFE];
	[sflag:s23] =	ssyncadd.s32 $0xFFFFFFFF  }
0xa5: {  	s26 =	simm.s32 $execute0_lowered;
	[smem:$0x3FD2] =	sst s25  }
0xa6: {  	s5 =	sshll.u32 s26, $0x1;
	_ =	strace $0x80000046;
	[dreg:$0x1] =	wrdreg $0xFFFFFFFF  }
0xa7: {  	s28 =	simm.s32 $_size_execute0_lowered;
	s3 =	sadd.s32 s3, s5;
	[dreg:$0x0] =	wrdreg $0x0  }
0xa8: {  	s5 =	sshll.u32 s28, $0x1;
	[dreg:$0x2] =	wrdreg s3  }
0xa9: {  	[dreg:$0x3] =	wrdreg s5  }
0xaa: {  	[dreg:$0x4] =	wrdreg $0xC0  }
0xab: {  	_ =	task [dreg:s7], $0x5FFFF  }
0xac: {  	[dreg:$0x1] =	wrdreg $0xFFFFFFFF  }
0xad: {  	[dreg:$0x0] =	wrdreg $0x60  }
0xae: {  	[dreg:$0x2] =	wrdreg s24  }
0xaf: {  	[dreg:$0x3] =	wrdreg s2  }
0xb0: {  	[dreg:$0x4] =	wrdreg $0x0  }
0xb1: {  	[dreg:$0x5] =	wrdreg $0x9  }
0xb2: {  	_ =	task.clear_ibuf [dreg:s7], $0x6FFFF;
	_ =	strace $0x90000046  }
0xb3: {  	s29 =	simm.s32 $0x9;
	_ =	strace $0x80000048  }
0xb4: {  	_ =	swait.ge [sflag:s29], $0x1  }
0xb5: {  	[sflag:s29] =	ssyncadd.s32 $0xFFFFFFFF  }
0xb6: {  	_ =	strace $0x90000048  }
0xb7: {  	_ =	sfence  }
0xb8: {  	s30 =	sld [smem:$0x0];
	_ =	sdelay $0x2  }
0xb9: {  	s31 =	sshll.u32 s1, $0xD;
	s1 =	sshrl.u32 s1, $0x2  }
0xba: {  	s3 =	sand.u32 $0x4000, s31;
	s1 =	sadd.s32 s1, s30  }
0xbb: {  	s0 =	sor.u32 s3, s0;
	s1 =	sshll.u32 s1, $0x11  }
0xbc: {  	s0 =	sor.u32 s1, s0  }
0xbd: {  	s0 =	sadd.s32 $0x8F2B, s0  }
0xbe: {  	[sflag:s0] =	ssyncadd.remote.s32 $0x1  }
0xbf: {  	_ =	sfence.sel $0xFFFF  }
0xc0: {  	[dreg:$0x0] =	wrdreg $0xFFFFFFFF;
	(pc) =	sbr.abs _section_cstart, $3  }
0xc1: {  	[dreg:$0x1] =	wrdreg $0xFFFFFFFF  }
0xc2: {  	_ =	task.clear_ibuf [dreg:s7], $0x2FFFF;
	_ =	strace $0x9FFFFFFF  }
0xc3: {  	(tm) =	ssettm $0x7FFFFFFF  }
tec
execute0_lowered:
.L_overlay_start_1:
0x0: {  	(tag) =	ssettag $0x1  }
0x1: {  	s0 =	rddreg [dreg:$0x0]  }
0x2: {  	s1 =	rddreg [dreg:$0x1];
	s2 =	srdreg.scid  }
0x3: {  	s3 =	stileid.u32;
	s29 =	simm.s32 $0x2;
	s30 =	simm.s32 $0x6870  }
0x4: {  	s31 =	simm.s32 $0x3;
	s28 =	simm.s32 $0x0;
	s4 =	sand.u32 $0x1, s2  }
0x5: {  	s2 =	simm.s32 $0x0;
	s5 =	sshll.u32 s3, $0x7;
	p0 =	sne.s32 s3, $0x0  }
0x6: {  	s6 =	sshll.u32 s4, $0x6;
	[smem:$0x7FF] =	sst s2;
	s4 =	ssub.s32 $0x2, s4  }
0x7: {  	s5 =	sor.u32 s6, s5;
	_ =	strace $0x80000047;
	s23 =	sshrl.u32 s4, $0x1  }
0x8: {  	s24 =	sadd.s32 s5, s0;
	s0 =	sadd.s32 $0xC200, s0;
	s21 =	sadd.s32 s1, s5  }
0x9: {  	[dreg:$0x4] =	wrdreg s0;
	s0 =	ssub.s32 s4, s23;
	s25 =	sadd.s32 $0x200, s24  }
0xa: {  	s26 =	sadd.s32 $0xA00, s24;
	s6 =	sadd.s32 $0x1200, s24;
	s7 =	sadd.s32 $0x1A00, s24  }
0xb: {  	s8 =	sadd.s32 $0x2200, s24;
	s9 =	sadd.s32 $0x2A00, s24;
	s10 =	sadd.s32 $0x3200, s24  }
0xc: {  	s11 =	sadd.s32 $0x3A00, s24;
	s12 =	sadd.s32 $0x4200, s24;
	s13 =	sadd.s32 $0x4A00, s24  }
0xd: {  	s14 =	sadd.s32 $0x5200, s24;
	s15 =	sadd.s32 $0x5A00, s24;
	s16 =	sadd.s32 $0x6200, s24  }
0xe: {  	s17 =	sadd.s32 $0x6A00, s24;
	s18 =	sadd.s32 $0x7200, s24;
	s19 =	sadd.s32 $0x7A00, s24  }
0xf: {  	s20 =	sadd.s32 $0x8200, s24;
	s22 =	sadd.s32 $0x8A00, s24;
	[dreg:$0x5] =	wrdreg s25  }
0x10: {  	s23 =	sadd.s32 $0x9200, s24;
	s24 =	sadd.s32 $0x9A00, s24;
	[dreg:$0x6] =	wrdreg s26  }
0x11: {  	s25 =	smax.u32 s0, $0x1;
	s26 =	simm.s32 $0x1870;
	s0 =	simm.s32 $0x1  }
.LBB2_1:
0x12: {  	s1 =	rddreg [dreg:$0x5]  }
0x13: {  	[tilespmem:s26], [sflag:$0x1] =	stream.linear.gather [hbm4b:s1+s2], $0x200, $0x38;
	[tilespmem:$0x6A70] =	vst v63  }
0x14: {  	s4 =	rddreg [dreg:$0x6];
	s3 =	simm.s32 $0x1A70  }
0x15: {  	[tilespmem:s3], [sflag:$0x1] =	stream.linear.gather [hbm4b:s4+s2], $0x200, $0x38;
	[tilespmem:$0x6A70] =	vst v63  }
0x16: {  	s5 =	simm.s32 $0x1C70  }
0x17: {  	[tilespmem:s5], [sflag:$0x1] =	stream.linear.gather [hbm4b:s6+s2], $0x200, $0x38;
	[tilespmem:$0x6A70] =	vst v63  }
0x18: {  	s3 =	simm.s32 $0x1E70  }
0x19: {  	[tilespmem:s3], [sflag:$0x1] =	stream.linear.gather [hbm4b:s7+s2], $0x200, $0x38;
	[tilespmem:$0x6A70] =	vst v63  }
0x1a: {  	s4 =	simm.s32 $0x2070  }
0x1b: {  	[tilespmem:s4], [sflag:$0x1] =	stream.linear.gather [hbm4b:s8+s2], $0x200, $0x38;
	[tilespmem:$0x6A70] =	vst v63  }
0x1c: {  	s5 =	simm.s32 $0x2270  }
0x1d: {  	[tilespmem:s5], [sflag:$0x1] =	stream.linear.gather [hbm4b:s9+s2], $0x200, $0x38;
	[tilespmem:$0x6A70] =	vst v63  }
0x1e: {  	s3 =	simm.s32 $0x2470  }
0x1f: {  	[tilespmem:s3], [sflag:$0x1] =	stream.linear.gather [hbm4b:s10+s2], $0x200, $0x38;
	[tilespmem:$0x6A70] =	vst v63  }
0x20: {  	s4 =	simm.s32 $0x2670  }
0x21: {  	[tilespmem:s4], [sflag:$0x1] =	stream.linear.gather [hbm4b:s11+s2], $0x200, $0x38;
	[tilespmem:$0x6A70] =	vst v63  }
0x22: {  	s5 =	simm.s32 $0x2870  }
0x23: {  	[tilespmem:s5], [sflag:$0x1] =	stream.linear.gather [hbm4b:s12+s2], $0x200, $0x38;
	[tilespmem:$0x6A70] =	vst v63  }
0x24: {  	s3 =	simm.s32 $0x2A70  }
0x25: {  	[tilespmem:s3], [sflag:$0x1] =	stream.linear.gather [hbm4b:s13+s2], $0x200, $0x38;
	[tilespmem:$0x6A70] =	vst v63  }
0x26: {  	s4 =	simm.s32 $0x2C70  }
0x27: {  	[tilespmem:s4], [sflag:$0x1] =	stream.linear.gather [hbm4b:s14+s2], $0x200, $0x38;
	[tilespmem:$0x6A70] =	vst v63  }
0x28: {  	s5 =	simm.s32 $0x2E70  }
0x29: {  	[tilespmem:s5], [sflag:$0x1] =	stream.linear.gather [hbm4b:s15+s2], $0x200, $0x38;
	[tilespmem:$0x6A70] =	vst v63  }
0x2a: {  	s3 =	simm.s32 $0x3070  }
0x2b: {  	[tilespmem:s3], [sflag:$0x1] =	stream.linear.gather [hbm4b:s16+s2], $0x200, $0x38;
	[tilespmem:$0x6A70] =	vst v63  }
0x2c: {  	s4 =	simm.s32 $0x3270  }
0x2d: {  	[tilespmem:s4], [sflag:$0x1] =	stream.linear.gather [hbm4b:s17+s2], $0x200, $0x38;
	[tilespmem:$0x6A70] =	vst v63  }
0x2e: {  	s5 =	simm.s32 $0x3470  }
0x2f: {  	[tilespmem:s5], [sflag:$0x1] =	stream.linear.gather [hbm4b:s18+s2], $0x200, $0x38;
	[tilespmem:$0x6A70] =	vst v63  }
0x30: {  	s3 =	simm.s32 $0x3670  }
0x31: {  	[tilespmem:s3], [sflag:$0x1] =	stream.linear.gather [hbm4b:s19+s2], $0x200, $0x38;
	[tilespmem:$0x6A70] =	vst v63  }
0x32: {  	s4 =	simm.s32 $0x3870  }
0x33: {  	[tilespmem:s4], [sflag:$0x1] =	stream.linear.gather [hbm4b:s20+s2], $0x200, $0x38;
	[tilespmem:$0x6A70] =	vst v63  }
0x34: {  	s5 =	simm.s32 $0x3A70  }
0x35: {  	[tilespmem:s5], [sflag:$0x1] =	stream.linear.gather [hbm4b:s22+s2], $0x200, $0x38;
	[tilespmem:$0x6A70] =	vst v63  }
0x36: {  	s3 =	simm.s32 $0x3C70  }
0x37: {  	[tilespmem:s3], [sflag:$0x1] =	stream.linear.gather [hbm4b:s23+s2], $0x200, $0x38;
	[tilespmem:$0x6A70] =	vst v63  }
0x38: {  	s4 =	simm.s32 $0x3E70  }
0x39: {  	[tilespmem:s4], [sflag:$0x1] =	stream.linear.gather [hbm4b:s24+s2], $0x200, $0x38;
	[tilespmem:$0x6A70] =	vst v63  }
0x3a: {  	s4 =	rddreg [dreg:$0x2]  }
0x3b: {  	s5 =	rddreg [dreg:$0x4];
	s3 =	simm.s32 @!p0 $0x1C03;
	s1 =	sshrl.u32 @!p0 s4, $0x3  }
0x3c: {  	[spmem:s1], [sflag:s3] =	dma.local @!p0 [hbm:s5], $0x30E0  }
0x3d: {  	s1 =	simm.s32 @!p0 $0x3  }
0x3e: {  	_ =	swait.ge @!p0 [sflag:s1], $0x30E0  }
0x3f: {  	[sflag:s1] =	ssyncset.done @!p0 $0x0  }
0x40: {  	[sflag:s1] =	ssyncadd.s32 @!p0 $0xFFFFCF20  }
0x41: {  	_ =	swait.ge [sflag:s0], $0x200  }
0x42: {  	[sflag:s0] =	ssyncset.done $0x0  }
0x43: {  	[sflag:s0] =	ssyncadd.s32 $0xFFFFFE00  }
0x44: {  	_ =	swait.ge [sflag:s0], $0x200  }
0x45: {  	[sflag:s0] =	ssyncset.done $0x0  }
0x46: {  	[sflag:s0] =	ssyncadd.s32 $0xFFFFFE00  }
0x47: {  	_ =	swait.ge [sflag:s0], $0x200  }
0x48: {  	[sflag:s0] =	ssyncset.done $0x0  }
0x49: {  	[sflag:s0] =	ssyncadd.s32 $0xFFFFFE00  }
0x4a: {  	_ =	swait.ge [sflag:s0], $0x200  }
0x4b: {  	[sflag:s0] =	ssyncset.done $0x0  }
0x4c: {  	[sflag:s0] =	ssyncadd.s32 $0xFFFFFE00  }
0x4d: {  	_ =	swait.ge [sflag:s0], $0x200  }
0x4e: {  	[sflag:s0] =	ssyncset.done $0x0  }
0x4f: {  	[sflag:s0] =	ssyncadd.s32 $0xFFFFFE00  }
0x50: {  	_ =	swait.ge [sflag:s0], $0x200  }
0x51: {  	[sflag:s0] =	ssyncset.done $0x0  }
0x52: {  	[sflag:s0] =	ssyncadd.s32 $0xFFFFFE00  }
0x53: {  	_ =	swait.ge [sflag:s0], $0x200  }
0x54: {  	[sflag:s0] =	ssyncset.done $0x0  }
0x55: {  	[sflag:s0] =	ssyncadd.s32 $0xFFFFFE00  }
0x56: {  	_ =	swait.ge [sflag:s0], $0x200  }
0x57: {  	[sflag:s0] =	ssyncset.done $0x0  }
0x58: {  	[sflag:s0] =	ssyncadd.s32 $0xFFFFFE00  }
0x59: {  	_ =	swait.ge [sflag:s0], $0x200  }
0x5a: {  	[sflag:s0] =	ssyncset.done $0x0  }
0x5b: {  	[sflag:s0] =	ssyncadd.s32 $0xFFFFFE00  }
0x5c: {  	_ =	swait.ge [sflag:s0], $0x200  }
0x5d: {  	[sflag:s0] =	ssyncset.done $0x0  }
0x5e: {  	[sflag:s0] =	ssyncadd.s32 $0xFFFFFE00  }
0x5f: {  	_ =	swait.ge [sflag:s0], $0x200  }
0x60: {  	[sflag:s0] =	ssyncset.done $0x0  }
0x61: {  	[sflag:s0] =	ssyncadd.s32 $0xFFFFFE00  }
0x62: {  	_ =	swait.ge [sflag:s0], $0x200  }
0x63: {  	[sflag:s0] =	ssyncset.done $0x0  }
0x64: {  	[sflag:s0] =	ssyncadd.s32 $0xFFFFFE00  }
0x65: {  	_ =	swait.ge [sflag:s0], $0x200  }
0x66: {  	[sflag:s0] =	ssyncset.done $0x0  }
0x67: {  	[sflag:s0] =	ssyncadd.s32 $0xFFFFFE00  }
0x68: {  	_ =	swait.ge [sflag:s0], $0x200  }
0x69: {  	[sflag:s0] =	ssyncset.done $0x0  }
0x6a: {  	[sflag:s0] =	ssyncadd.s32 $0xFFFFFE00  }
0x6b: {  	_ =	swait.ge [sflag:s0], $0x200  }
0x6c: {  	[sflag:s0] =	ssyncset.done $0x0  }
0x6d: {  	[sflag:s0] =	ssyncadd.s32 $0xFFFFFE00  }
0x6e: {  	_ =	swait.ge [sflag:s0], $0x200  }
0x6f: {  	[sflag:s0] =	ssyncset.done $0x0  }
0x70: {  	[sflag:s0] =	ssyncadd.s32 $0xFFFFFE00  }
0x71: {  	_ =	swait.ge [sflag:s0], $0x200  }
0x72: {  	[sflag:s0] =	ssyncset.done $0x0  }
0x73: {  	[sflag:s0] =	ssyncadd.s32 $0xFFFFFE00  }
0x74: {  	_ =	swait.ge [sflag:s0], $0x200  }
0x75: {  	[sflag:s0] =	ssyncset.done $0x0  }
0x76: {  	[sflag:s0] =	ssyncadd.s32 $0xFFFFFE00  }
0x77: {  	_ =	swait.ge [sflag:s0], $0x200  }
0x78: {  	[sflag:s0] =	ssyncset.done $0x0  }
0x79: {  	[sflag:s0] =	ssyncadd.s32 $0xFFFFFE00  }
0x7a: {  	_ =	swait.ge [sflag:s0], $0x200  }
0x7b: {  	[sflag:s0] =	ssyncset.done $0x0  }
0x7c: {  	[sflag:s0] =	ssyncadd.s32 $0xFFFFFE00  }
0x7d: {  	s5 =	simm.s32 $0x2800;
	s1 =	simm.s32 $0x4070;
	[bflag:$0x0] =	sbarrier.arrive $0xFFFF  }
0x7e: {  	[tilespmem:s1], [sflag:$0x2] =	stream.indirect.gather [spmem:s4], $0x1, s26, s5, $0xb8;
	[tilespmem:$0x6A70] =	vst v63  }
0x7f: {  	_ =	swait.ge [sflag:s29], $0x2800  }
0x80: {  	[sflag:s29] =	ssyncset.done $0x0  }
0x81: {  	s4 =	sand.u32 $0x1F0, s2;
	[sflag:s29] =	ssyncadd.s32 $0xFFFFD800  }
0x82: {  	v0 =	vld [tilespmem:s4+$0x4270]  }
0x83: {  	v1 =	vld [tilespmem:s1+$0x0];
	_ =	sdelay $0x1  }
0x84: {  	v2 =	vld [tilespmem:s4+$0x4470];
	_ =	sdelay $0x1  }
0x85: {  	v3 =	vld [tilespmem:s4+$0x4670]  }
0x86: {  	v0 =	vadd.f32 v0, v1  }
0x87: {  	v1 =	vld [tilespmem:s4+$0x4870]  }
0x88: {  	v0 =	vadd.f32 v2, v0  }
0x89: {  	v2 =	vld [tilespmem:s4+$0x4A70]  }
0x8a: {  	v0 =	vadd.f32 v3, v0  }
0x8b: {  	v3 =	vld [tilespmem:s4+$0x4C70]  }
0x8c: {  	v0 =	vadd.f32 v1, v0  }
0x8d: {  	v1 =	vld [tilespmem:s4+$0x4E70]  }
0x8e: {  	v0 =	vadd.f32 v2, v0  }
0x8f: {  	v2 =	vld [tilespmem:s4+$0x5070]  }
0x90: {  	v0 =	vadd.f32 v3, v0  }
0x91: {  	v3 =	vld [tilespmem:s4+$0x5270]  }
0x92: {  	v0 =	vadd.f32 v1, v0  }
0x93: {  	v1 =	vld [tilespmem:s4+$0x5470]  }
0x94: {  	v0 =	vadd.f32 v2, v0  }
0x95: {  	v2 =	vld [tilespmem:s4+$0x5670]  }
0x96: {  	v0 =	vadd.f32 v3, v0  }
0x97: {  	v3 =	vld [tilespmem:s4+$0x5870]  }
0x98: {  	v0 =	vadd.f32 v1, v0  }
0x99: {  	v1 =	vld [tilespmem:s4+$0x5A70]  }
0x9a: {  	v0 =	vadd.f32 v2, v0  }
0x9b: {  	v2 =	vld [tilespmem:s4+$0x5C70]  }
0x9c: {  	v0 =	vadd.f32 v3, v0  }
0x9d: {  	v3 =	vld [tilespmem:s4+$0x5E70]  }
0x9e: {  	v0 =	vadd.f32 v1, v0  }
0x9f: {  	v1 =	vld [tilespmem:s4+$0x6070]  }
0xa0: {  	v0 =	vadd.f32 v2, v0  }
0xa1: {  	v2 =	vld [tilespmem:s4+$0x6270]  }
0xa2: {  	v0 =	vadd.f32 v3, v0  }
0xa3: {  	v3 =	vld [tilespmem:s4+$0x6470]  }
0xa4: {  	v0 =	vadd.f32 v1, v0  }
0xa5: {  	v1 =	vld [tilespmem:s4+$0x6670]  }
0xa6: {  	v0 =	vadd.f32 v2, v0;
	_ =	sdelay $0x1  }
0xa7: {  	v0 =	vadd.f32 v3, v0;
	_ =	sdelay $0x1  }
0xa8: {  	v0 =	vadd.f32 v1, v0  }
0xa9: {  	s5 =	simm.s32 $0x10  }
0xaa: {  	s3 =	sand.u32 $0x1F0, s5;
	[tilespmem:s30+$0x0] =	vst v0  }
0xab: {  	s5 =	simm.s32 $0x20;
	s1 =	simm.s32 $0x6870;
	s4 =	simm.s32 $0x4080;
	v0 =	vld [tilespmem:s3+$0x4270]  }
.LBB2_2:
0xac: {  	p1 =	sne.s32 s5, $0x1F0;
	v1 =	vld [tilespmem:s4+$0x0];
	_ =	sdelay $0x1  }
0xad: {  	v2 =	vld [tilespmem:s3+$0x4470];
	_ =	sdelay $0x1  }
0xae: {  	v3 =	vld [tilespmem:s3+$0x4670]  }
0xaf: {  	v0 =	vadd.f32 v0, v1  }
0xb0: {  	v1 =	vld [tilespmem:s3+$0x4870]  }
0xb1: {  	v0 =	vadd.f32 v2, v0  }
0xb2: {  	v2 =	vld [tilespmem:s3+$0x4A70]  }
0xb3: {  	v0 =	vadd.f32 v3, v0  }
0xb4: {  	v3 =	vld [tilespmem:s3+$0x4C70]  }
0xb5: {  	v0 =	vadd.f32 v1, v0  }
0xb6: {  	v1 =	vld [tilespmem:s3+$0x4E70]  }
0xb7: {  	v0 =	vadd.f32 v2, v0  }
0xb8: {  	v2 =	vld [tilespmem:s3+$0x5070]  }
0xb9: {  	v0 =	vadd.f32 v3, v0  }
0xba: {  	v3 =	vld [tilespmem:s3+$0x5270]  }
0xbb: {  	v0 =	vadd.f32 v1, v0  }
0xbc: {  	v1 =	vld [tilespmem:s3+$0x5470]  }
0xbd: {  	v0 =	vadd.f32 v2, v0  }
0xbe: {  	v2 =	vld [tilespmem:s3+$0x5670]  }
0xbf: {  	v0 =	vadd.f32 v3, v0  }
0xc0: {  	v3 =	vld [tilespmem:s3+$0x5870]  }
0xc1: {  	v0 =	vadd.f32 v1, v0  }
0xc2: {  	v1 =	vld [tilespmem:s3+$0x5A70]  }
0xc3: {  	v0 =	vadd.f32 v2, v0  }
0xc4: {  	v2 =	vld [tilespmem:s3+$0x5C70]  }
0xc5: {  	v0 =	vadd.f32 v3, v0  }
0xc6: {  	v3 =	vld [tilespmem:s3+$0x5E70]  }
0xc7: {  	v0 =	vadd.f32 v1, v0  }
0xc8: {  	v1 =	vld [tilespmem:s3+$0x6070]  }
0xc9: {  	v0 =	vadd.f32 v2, v0  }
0xca: {  	v2 =	vld [tilespmem:s3+$0x6270]  }
0xcb: {  	v0 =	vadd.f32 v3, v0  }
0xcc: {  	v3 =	vld [tilespmem:s3+$0x6470]  }
0xcd: {  	v0 =	vadd.f32 v1, v0  }
0xce: {  	v1 =	vld [tilespmem:s3+$0x6670]  }
0xcf: {  	v0 =	vadd.f32 v2, v0;
	_ =	sdelay $0x1  }
0xd0: {  	v0 =	vadd.f32 v3, v0  }
.Ltmp0:
0xd1: {  	(pc) =	sbr.rel @p1 .LBB2_2-.Ltmp0, $4  }
0xd2: {  	v0 =	vadd.f32 v1, v0  }
0xd3: {  	s1 =	sadd.s32 $0x10, s1  }
0xd4: {  	s3 =	sand.u32 $0x1F0, s5;
	[tilespmem:s1+$0x0] =	vst v0  }
0xd5: {  	s4 =	sadd.s32 $0x10, s4;
	s5 =	sadd.s32 $0x10, s5;
	v0 =	vld [tilespmem:s3+$0x4270]  }
0xd6: {  	v1 =	vld [tilespmem:s4+$0x0];
	_ =	sdelay $0x1  }
0xd7: {  	v2 =	vld [tilespmem:s3+$0x4470];
	_ =	sdelay $0x1  }
0xd8: {  	v3 =	vld [tilespmem:s3+$0x4670]  }
0xd9: {  	v0 =	vadd.f32 v0, v1  }
0xda: {  	v48 =	vld [tilespmem:s3+$0x4870]  }
0xdb: {  	v0 =	vadd.f32 v2, v0  }
0xdc: {  	v49 =	vld [tilespmem:s3+$0x4A70]  }
0xdd: {  	v0 =	vadd.f32 v3, v0  }
0xde: {  	v50 =	vld [tilespmem:s3+$0x4C70]  }
0xdf: {  	v0 =	vadd.f32 v48, v0  }
0xe0: {  	v51 =	vld [tilespmem:s3+$0x4E70]  }
0xe1: {  	v0 =	vadd.f32 v49, v0  }
0xe2: {  	v52 =	vld [tilespmem:s3+$0x5070]  }
0xe3: {  	v0 =	vadd.f32 v50, v0  }
0xe4: {  	v53 =	vld [tilespmem:s3+$0x5270]  }
0xe5: {  	v0 =	vadd.f32 v51, v0  }
0xe6: {  	v54 =	vld [tilespmem:s3+$0x5470]  }
0xe7: {  	v0 =	vadd.f32 v52, v0  }
0xe8: {  	v55 =	vld [tilespmem:s3+$0x5670]  }
0xe9: {  	v0 =	vadd.f32 v53, v0  }
0xea: {  	v56 =	vld [tilespmem:s3+$0x5870]  }
0xeb: {  	v0 =	vadd.f32 v54, v0  }
0xec: {  	v57 =	vld [tilespmem:s3+$0x5A70]  }
0xed: {  	v0 =	vadd.f32 v55, v0  }
0xee: {  	v58 =	vld [tilespmem:s3+$0x5C70]  }
0xef: {  	v0 =	vadd.f32 v56, v0  }
0xf0: {  	v59 =	vld [tilespmem:s3+$0x5E70]  }
0xf1: {  	v0 =	vadd.f32 v57, v0  }
0xf2: {  	v60 =	vld [tilespmem:s3+$0x6070]  }
0xf3: {  	v0 =	vadd.f32 v58, v0  }
0xf4: {  	v61 =	vld [tilespmem:s3+$0x6270]  }
0xf5: {  	v0 =	vadd.f32 v59, v0  }
0xf6: {  	v62 =	vld [tilespmem:s3+$0x6470]  }
0xf7: {  	v0 =	vadd.f32 v60, v0  }
0xf8: {  	v63 =	vld [tilespmem:s3+$0x6670]  }
0xf9: {  	v0 =	vadd.f32 v61, v0;
	_ =	sdelay $0x1  }
0xfa: {  	v0 =	vadd.f32 v62, v0;
	_ =	sdelay $0x1  }
0xfb: {  	s28 =	sadd.s32 $0x1, s28;
	v0 =	vadd.f32 v63, v0  }
0xfc: {  	s1 =	sadd.s32 $0x10, s1;
	p1 =	sne.s32 s28, s25  }
.Ltmp1:
0xfd: {  	[tilespmem:s1+$0x0] =	vst v0;
	(pc) =	sbr.rel @p1 .LBB2_1-.Ltmp1, $4  }
0xfe: {  	[hbm4b:s21+s2] =	stream.linear.scatter [tilespmem:s30], [sflag:$0x3], $0x200, $0x38;
	[tilespmem:$0x6A70] =	vst v63  }
0xff: {  	_ =	swait.ge [sflag:s31], $0x200  }
0x100: {  	[sflag:s31] =	ssyncset.done $0x0  }
0x101: {  	[sflag:s31] =	ssyncadd.s32 $0xFFFFFE00  }
0x102: {  	_ =	sfence.sel $0x180000  }
0x103: {  	[bflag:$0x0] =	sbarrier.arrive $0xFFFF  }
0x104: {  	_ =	strace $0x90000047  }
0x105: {  	[bflag:$0x2] =	sbarrier.arrive $0xFFFF  }
0x106: {  	s0 =	rddreg [dreg:$0x3]  }
0x107: {  	s0 =	sadd.s32 @!p0 $0x100000, s0  }
0x108: {  	[sflag:s0] =	ssyncadd.tile.s32 @!p0 $0x1;
	_ =	shalt  }
.Lfunc_end2:
_tile_overlayer_lowered:
.L_overlay_start_2:
0x109: {  	(tag) =	ssettag $0x2  }
0x10a: {  	s0 =	rddreg [dreg:$0x0];
	s2 =	stileid.u32  }
0x10b: {  	s1 =	rddreg [dreg:$0x1];
	p0 =	sne.s32 s2, $0x0  }
0x10c: {  	s3 =	rddreg [dreg:$0x2];
	[bflag:$0x3] =	sbarrier.arrive $0xFFFF;
	s2 =	simm.s32 @!p0 $0x1C03  }
0x10d: {  	[timem:s3], [sflag:s2] =	dma.local @!p0 [hbm:s0], s1  }
0x10e: {  	s0 =	simm.s32 @!p0 $0x3  }
0x10f: {  	_ =	swait.ge @!p0 [sflag:s0], s1  }
0x110: {  	s1 =	ssub.s32 @!p0 $0x0, s1;
	[sflag:s0] =	ssyncset.done @!p0 $0x0  }
0x111: {  	[sflag:s0] =	ssyncadd.s32 @!p0 s1  }
0x112: {  	[bflag:$0x3] =	sbarrier.arrive $0xFFFF  }
0x113: {  	_ =	shalt  }

</sc_bundles>
